<compile_context>
chip_gen: v7x
topology: tpu7x:2x2x1
jax: 0.10.2.dev20260603
libtpu: 0.0.44.dev20260713+nightly
codegen_flags: <defaults>
</compile_context>

<pallas_src>
import jax
import jax.numpy as jnp
from jax import lax
from jax.experimental import pallas as pl
from jax.experimental.pallas import tpu as pltpu
from jax.experimental.pallas import tpu_sc as plsc

VOCAB = 1000000
BATCH = 4096
SEQ = 200
HIDDEN = 64
NUM_LABELS = 128

NUM_CORES = 2
NUM_SUBCORES = 16
NUM_WORKERS = NUM_CORES * NUM_SUBCORES
LANES = 16

ROWS_PER_WORKER = BATCH // NUM_WORKERS
CHUNK0 = 128
CHUNK1 = SEQ - CHUNK0


BI = 20480


def _project_body(t_ref, w_ref, b_ref, o_ref):
    o_ref[...] = (
        lax.dot_general(
            t_ref[...],
            w_ref[...],
            (((0,), (1,)), ((), ())),
            preferred_element_type=jnp.float32,
        )
        + b_ref[...]
    )


def _project(tableT, W, b2d):
    return pl.pallas_call(
        _project_body,
        grid=(pl.cdiv(VOCAB, BI),),
        in_specs=[
            pl.BlockSpec((HIDDEN, BI), lambda i: (0, i)),
            pl.BlockSpec((NUM_LABELS, HIDDEN), lambda i: (0, 0)),
            pl.BlockSpec((1, NUM_LABELS), lambda i: (0, 0)),
        ],
        out_specs=pl.BlockSpec((BI, NUM_LABELS), lambda i: (i, 0)),
        out_shape=jax.ShapeDtypeStruct((VOCAB, NUM_LABELS), jnp.float32),
    )(tableT, W, b2d)




def _pool_body(idx_hbm, table_hbm, out_hbm, idx_v, rows_v, out_v, sem0, sem1):
    wid = lax.axis_index("s") * NUM_CORES + lax.axis_index("c")
    base_row = wid * ROWS_PER_WORKER

    pltpu.sync_copy(
        idx_hbm.at[pl.ds(base_row * SEQ, ROWS_PER_WORKER * SEQ)], idx_v
    )

    sems = (sem0, sem1)

    def gather_descs(r, buf):
        off0 = pl.multiple_of(r * SEQ, 8)
        off1 = pl.multiple_of(r * SEQ + CHUNK0, 8)
        return (
            (
                table_hbm.at[idx_v.at[pl.ds(off0, CHUNK0)]],
                rows_v.at[buf].at[pl.ds(0, CHUNK0)],
                sems[buf],
            ),
            (
                table_hbm.at[idx_v.at[pl.ds(off1, CHUNK1)]],
                rows_v.at[buf].at[pl.ds(CHUNK0, CHUNK1)],
                sems[buf],
            ),
        )

    def start(r, buf):
        for desc in gather_descs(r, buf):
            pltpu.async_copy(*desc)

    def wait(r, buf):
        for desc in gather_descs(r, buf):
            pltpu.make_async_copy(*desc).wait()

    def accum(r, buf):
        def s_body(s, acc):
            return tuple(
                acc[j] + rows_v[buf, s, pl.ds(j * LANES, LANES)]
                for j in range(8)
            )

        zero = jnp.zeros((LANES,), jnp.float32)
        acc = lax.fori_loop(0, SEQ, s_body, (zero,) * 8)
        for j in range(8):
            out_v[r, pl.ds(j * LANES, LANES)] = acc[j]

    start(0, 0)

    def pair_body(k, carry):
        r0 = k * 2
        start(r0 + 1, 1)
        wait(r0, 0)
        accum(r0, 0)

        @pl.when(k < ROWS_PER_WORKER // 2 - 1)
        def _():
            start(r0 + 2, 0)

        wait(r0 + 1, 1)
        accum(r0 + 1, 1)
        return carry

    lax.fori_loop(0, ROWS_PER_WORKER // 2, pair_body, 0)
    pltpu.sync_copy(out_v, out_hbm.at[pl.ds(base_row, ROWS_PER_WORKER)])


_pool = pl.kernel(
    _pool_body,
    out_type=jax.ShapeDtypeStruct((BATCH, NUM_LABELS), jnp.float32),
    mesh=plsc.VectorSubcoreMesh(
        core_axis_name="c", subcore_axis_name="s", num_cores=NUM_CORES
    ),
    scratch_types=[
        pltpu.VMEM((ROWS_PER_WORKER * SEQ,), jnp.int32),
        pltpu.VMEM((2, SEQ, NUM_LABELS), jnp.float32),
        pltpu.VMEM((ROWS_PER_WORKER, NUM_LABELS), jnp.float32),
        pltpu.SemaphoreType.DMA,
        pltpu.SemaphoreType.DMA,
    ],
    compiler_params=pltpu.CompilerParams(use_tc_tiling_on_sc=True),
)




def _head_body(x_ref, o_ref):
    logits = x_ref[...] * (1.0 / SEQ)
    m = jnp.max(logits, axis=1, keepdims=True)
    e = jnp.exp(logits - m)
    s = jnp.sum(e, axis=1, keepdims=True)
    o_ref[...] = (logits - m) - jnp.log(s)


def _head(summed):
    return pl.pallas_call(
        _head_body,
        grid=(4,),
        in_specs=[pl.BlockSpec((BATCH // 4, NUM_LABELS), lambda i: (i, 0))],
        out_specs=pl.BlockSpec((BATCH // 4, NUM_LABELS), lambda i: (i, 0)),
        out_shape=jax.ShapeDtypeStruct((BATCH, NUM_LABELS), jnp.float32),
    )(summed)


@jax.jit
def kernel(one_hot_sentence, emb_table, W, b):
    idx = one_hot_sentence.reshape(-1).astype(jnp.int32)
    proj = _project(emb_table.T, W, b.reshape(1, NUM_LABELS))
    summed = _pool(idx, proj)
    return _head(summed)

# --- scband reference (transcript-rebuilt; emitter-appended) ---
"""Pipeline reference for scband-fast-text-classifier-32590211842398 (READ-ONLY COPY).

The authoritative reference and input builder live on the scoring server;
editing this copy changes nothing except your own understanding.
"""

import jax, jax.numpy as jnp
import numpy as np

VOCAB = 1000000
HIDDEN = 64
NUM_LABELS = 128
BATCH = 4096
SEQ = 200


def setup_inputs(seed: int = 0) -> dict:
    key = jax.random.key(seed)
    k_idx, k_emb, k_w, k_b = jax.random.split(key, 4)
    one_hot_sentence = jax.random.randint(k_idx, (BATCH, SEQ), 0, VOCAB, dtype=jnp.int64 if jax.config.jax_enable_x64 else jnp.int32)
    emb_table = jax.random.normal(k_emb, (VOCAB, HIDDEN), dtype=jnp.float32)
    W = jax.random.normal(k_w, (NUM_LABELS, HIDDEN), dtype=jnp.float32) * (1.0 / np.sqrt(HIDDEN))
    b = jax.random.normal(k_b, (NUM_LABELS,), dtype=jnp.float32) * 0.01
    return {"one_hot_sentence": one_hot_sentence, "emb_table": emb_table, "W": W, "b": b}


def reference(one_hot_sentence, emb_table, W, b):
    # Embedding lookup: [B, S] -> [B, S, H]
    embeds = jnp.take(emb_table, one_hot_sentence, axis=0)
    # Mean pool over sequence dimension
    pooled = jnp.mean(embeds, axis=1)
    # Linear (torch convention: x @ W.T + b)
    out = pooled @ W.T + b
    return jax.nn.log_softmax(out, axis=1)

if __name__ == "__main__":
    import jax
    _d = setup_inputs()
    print(jax.jit(kernel)(*tuple(_d.values())))

</pallas_src>

<mosaic_0001>
#map = affine_map<(d0, d1) -> (0)>
#map1 = affine_map<(d0, d1) -> (0, 0)>
module attributes {stable_mosaic.version = 14 : i64} {
  func.func @_pool_body(%arg0: i32, %arg1: i32, %arg2: memref<819200xi32, #tpu.memory_space<hbm>>, %arg3: memref<1000000x128xf32, #tpu.memory_space<hbm>>, %arg4: memref<4096x128xf32, #tpu.memory_space<hbm>>, %arg5: memref<25600xi32, #tpu.memory_space<vmem>>, %arg6: memref<2x200x128xf32, #tpu.memory_space<vmem>>, %arg7: memref<128x128xf32, #tpu.memory_space<vmem>>, %arg8: memref<!tpu.dma_semaphore, #tpu.memory_space<semaphore_mem>>, %arg9: memref<!tpu.dma_semaphore, #tpu.memory_space<semaphore_mem>>) attributes {dimension_semantics = [#tpu.dimension_semantics<core_parallel>, #tpu.dimension_semantics<subcore_parallel>], iteration_bounds = array<i64: 2, 16>, scalar_prefetch = 0 : i64, scratch_operands = 5 : i64, tpu.core_type = #tpu.core_type<sc_vector_subcore>, window_params = [{transform_indices = #map}, {transform_indices = #map1}, {transform_indices = #map1}]} {
    %mul3A = arith.constant 2 : i32
    %mul3A_0 = arith.muli %arg1, %mul3A : i32
    %add3A = arith.addi %mul3A_0, %arg0 : i32
    %mul3A_1 = arith.constant 128 : i32
    %mul3A_2 = arith.muli %add3A, %mul3A_1 : i32
    %mul3A_3 = arith.constant 200 : i32
    %mul3A_4 = arith.muli %mul3A_2, %mul3A_3 : i32
    "tpu.region"() ({
      %run_scoped3A = tpu.sem_alloc : memref<!tpu.dma_semaphore, #tpu.memory_space<semaphore_mem>>
      %dma_start3A_36 = tpu.memref_slice %arg2[%mul3A_4] : memref<819200xi32, #tpu.memory_space<hbm>> -> memref<25600xi32, #tpu.memory_space<hbm>>
      %dma_start3A_37 = tpu.memref_slice %arg2[%mul3A_4] : memref<819200xi32, #tpu.memory_space<hbm>> -> memref<25600xi32, #tpu.memory_space<hbm>>
      tpu.enqueue_dma source(%dma_start3A_37 : memref<25600xi32, #tpu.memory_space<hbm>>) target(%arg5 : memref<25600xi32, #tpu.memory_space<vmem>>) target_semaphore(%run_scoped3A : memref<!tpu.dma_semaphore, #tpu.memory_space<semaphore_mem>>)
      %dma_wait3A = tpu.memref_slice %arg2[%mul3A_4] : memref<819200xi32, #tpu.memory_space<hbm>> -> memref<25600xi32, #tpu.memory_space<hbm>>
      %dma_wait3A_38 = tpu.memref_slice %arg2[%mul3A_4] : memref<819200xi32, #tpu.memory_space<hbm>> -> memref<25600xi32, #tpu.memory_space<hbm>>
      tpu.wait_dma2 semaphore(%run_scoped3A : memref<!tpu.dma_semaphore, #tpu.memory_space<semaphore_mem>>) src(%dma_wait3A_38 : memref<25600xi32, #tpu.memory_space<hbm>>) dst(%arg5 : memref<25600xi32, #tpu.memory_space<vmem>>)
      tpu.yield
    }) : () -> ()
    %multiple_of3A = arith.constant 0 : i32
    %multiple_of3A_5 = tpu.assume_multiple %multiple_of3A, 8 : i32
    %multiple_of3A_6 = arith.constant 128 : i32
    %multiple_of3A_7 = tpu.assume_multiple %multiple_of3A_6, 8 : i32
    %dma_start3A = arith.constant 0 : i32
    %dma_start3A_8 = arith.constant 0 : i32
    %dma_start3A_9 = arith.constant 0 : i32
    %dma_start3A_10 = tpu.memref_slice %arg6[%dma_start3A, %dma_start3A_8, %dma_start3A_9] : memref<2x200x128xf32, #tpu.memory_space<vmem>> -> memref<1x200x128xf32, #tpu.memory_space<vmem>>
    %dma_start3A_11 = tpu.memref_squeeze %dma_start3A_10 : memref<1x200x128xf32, #tpu.memory_space<vmem>> -> memref<200x128xf32, #tpu.memory_space<vmem>>
    %dma_start3A_12 = arith.constant 0 : i32
    %dma_start3A_13 = arith.constant 0 : i32
    %dma_start3A_14 = tpu.memref_slice %dma_start3A_11[%dma_start3A_12, %dma_start3A_13] : memref<200x128xf32, #tpu.memory_space<vmem>> -> memref<128x128xf32, #tpu.memory_space<vmem>>
    %dma_start3A_15 = tpu.memref_slice %arg5[%multiple_of3A_5] : memref<25600xi32, #tpu.memory_space<vmem>> -> memref<128xi32, #tpu.memory_space<vmem>>
    %dma_start3A_16 = arith.constant 0 : i32
    %dma_start3A_17 = arith.constant 0 : i32
    %dma_start3A_18 = tpu.memref_slice %arg3[%dma_start3A_16, %dma_start3A_17] : memref<1000000x128xf32, #tpu.memory_space<hbm>> -> memref<1000000x128xf32, #tpu.memory_space<hbm>>
    tpu.enqueue_indirect_dma source(%dma_start3A_18 : memref<1000000x128xf32, #tpu.memory_space<hbm>>) target(%dma_start3A_14 : memref<128x128xf32, #tpu.memory_space<vmem>>) offsets(%dma_start3A_15 : memref<128xi32, #tpu.memory_space<vmem>>) semaphore(%arg8 : memref<!tpu.dma_semaphore, #tpu.memory_space<semaphore_mem>>)
    %dma_start3A_19 = arith.constant 0 : i32
    %dma_start3A_20 = arith.constant 0 : i32
    %dma_start3A_21 = arith.constant 0 : i32
    %dma_start3A_22 = tpu.memref_slice %arg6[%dma_start3A_19, %dma_start3A_20, %dma_start3A_21] : memref<2x200x128xf32, #tpu.memory_space<vmem>> -> memref<1x200x128xf32, #tpu.memory_space<vmem>>
    %dma_start3A_23 = tpu.memref_squeeze %dma_start3A_22 : memref<1x200x128xf32, #tpu.memory_space<vmem>> -> memref<200x128xf32, #tpu.memory_space<vmem>>
    %dma_start3A_24 = arith.constant 128 : i32
    %dma_start3A_25 = arith.constant 0 : i32
    %dma_start3A_26 = tpu.memref_slice %dma_start3A_23[%dma_start3A_24, %dma_start3A_25] : memref<200x128xf32, #tpu.memory_space<vmem>> -> memref<72x128xf32, #tpu.memory_space<vmem>>
    %dma_start3A_27 = tpu.memref_slice %arg5[%multiple_of3A_7] : memref<25600xi32, #tpu.memory_space<vmem>> -> memref<72xi32, #tpu.memory_space<vmem>>
    %dma_start3A_28 = arith.constant 0 : i32
    %dma_start3A_29 = arith.constant 0 : i32
    %dma_start3A_30 = tpu.memref_slice %arg3[%dma_start3A_28, %dma_start3A_29] : memref<1000000x128xf32, #tpu.memory_space<hbm>> -> memref<1000000x128xf32, #tpu.memory_space<hbm>>
    tpu.enqueue_indirect_dma source(%dma_start3A_30 : memref<1000000x128xf32, #tpu.memory_space<hbm>>) target(%dma_start3A_26 : memref<72x128xf32, #tpu.memory_space<vmem>>) offsets(%dma_start3A_27 : memref<72xi32, #tpu.memory_space<vmem>>) semaphore(%arg8 : memref<!tpu.dma_semaphore, #tpu.memory_space<semaphore_mem>>)
    %scan3A = arith.constant 0 : i32
    %scan3A_31 = arith.constant 0 : i32
    %scan3A_32 = arith.constant 64 : i32
    %scan3A_33 = arith.addi %scan3A_31, %scan3A_32 : i32
    %scan3A_34 = arith.constant 1 : i32
    scf.for %scan3A_36 = %scan3A_31 to %scan3A_33 step %scan3A_34  : i32 {
      %mul3A_37 = arith.constant 2 : i32
      %mul3A_38 = arith.muli %scan3A_36, %mul3A_37 : i32
      %add3A_39 = arith.constant 1 : i32
      %add3A_40 = arith.addi %mul3A_38, %add3A_39 : i32
      %mul3A_41 = arith.constant 200 : i32
      %mul3A_42 = arith.muli %add3A_40, %mul3A_41 : i32
      %multiple_of3A_43 = tpu.assume_multiple %mul3A_42, 8 : i32
      %mul3A_44 = arith.constant 200 : i32
      %mul3A_45 = arith.muli %add3A_40, %mul3A_44 : i32
      %add3A_46 = arith.constant 128 : i32
      %add3A_47 = arith.addi %mul3A_45, %add3A_46 : i32
      %multiple_of3A_48 = tpu.assume_multiple %add3A_47, 8 : i32
      %dma_start3A_49 = arith.constant 1 : i32
      %dma_start3A_50 = arith.constant 0 : i32
      %dma_start3A_51 = arith.constant 0 : i32
      %dma_start3A_52 = tpu.memref_slice %arg6[%dma_start3A_49, %dma_start3A_50, %dma_start3A_51] : memref<2x200x128xf32, #tpu.memory_space<vmem>> -> memref<1x200x128xf32, #tpu.memory_space<vmem>>
      %dma_start3A_53 = tpu.memref_squeeze %dma_start3A_52 : memref<1x200x128xf32, #tpu.memory_space<vmem>> -> memref<200x128xf32, #tpu.memory_space<vmem>>
      %dma_start3A_54 = arith.constant 0 : i32
      %dma_start3A_55 = arith.constant 0 : i32
      %dma_start3A_56 = tpu.memref_slice %dma_start3A_53[%dma_start3A_54, %dma_start3A_55] : memref<200x128xf32, #tpu.memory_space<vmem>> -> memref<128x128xf32, #tpu.memory_space<vmem>>
      %dma_start3A_57 = tpu.memref_slice %arg5[%multiple_of3A_43] : memref<25600xi32, #tpu.memory_space<vmem>> -> memref<128xi32, #tpu.memory_space<vmem>>
      %dma_start3A_58 = arith.constant 0 : i32
      %dma_start3A_59 = arith.constant 0 : i32
      %dma_start3A_60 = tpu.memref_slice %arg3[%dma_start3A_58, %dma_start3A_59] : memref<1000000x128xf32, #tpu.memory_space<hbm>> -> memref<1000000x128xf32, #tpu.memory_space<hbm>>
      tpu.enqueue_indirect_dma source(%dma_start3A_60 : memref<1000000x128xf32, #tpu.memory_space<hbm>>) target(%dma_start3A_56 : memref<128x128xf32, #tpu.memory_space<vmem>>) offsets(%dma_start3A_57 : memref<128xi32, #tpu.memory_space<vmem>>) semaphore(%arg9 : memref<!tpu.dma_semaphore, #tpu.memory_space<semaphore_mem>>)
      %dma_start3A_61 = arith.constant 1 : i32
      %dma_start3A_62 = arith.constant 0 : i32
      %dma_start3A_63 = arith.constant 0 : i32
      %dma_start3A_64 = tpu.memref_slice %arg6[%dma_start3A_61, %dma_start3A_62, %dma_start3A_63] : memref<2x200x128xf32, #tpu.memory_space<vmem>> -> memref<1x200x128xf32, #tpu.memory_space<vmem>>
      %dma_start3A_65 = tpu.memref_squeeze %dma_start3A_64 : memref<1x200x128xf32, #tpu.memory_space<vmem>> -> memref<200x128xf32, #tpu.memory_space<vmem>>
      %dma_start3A_66 = arith.constant 128 : i32
      %dma_start3A_67 = arith.constant 0 : i32
      %dma_start3A_68 = tpu.memref_slice %dma_start3A_65[%dma_start3A_66, %dma_start3A_67] : memref<200x128xf32, #tpu.memory_space<vmem>> -> memref<72x128xf32, #tpu.memory_space<vmem>>
      %dma_start3A_69 = tpu.memref_slice %arg5[%multiple_of3A_48] : memref<25600xi32, #tpu.memory_space<vmem>> -> memref<72xi32, #tpu.memory_space<vmem>>
      %dma_start3A_70 = arith.constant 0 : i32
      %dma_start3A_71 = arith.constant 0 : i32
      %dma_start3A_72 = tpu.memref_slice %arg3[%dma_start3A_70, %dma_start3A_71] : memref<1000000x128xf32, #tpu.memory_space<hbm>> -> memref<1000000x128xf32, #tpu.memory_space<hbm>>
      tpu.enqueue_indirect_dma source(%dma_start3A_72 : memref<1000000x128xf32, #tpu.memory_space<hbm>>) target(%dma_start3A_68 : memref<72x128xf32, #tpu.memory_space<vmem>>) offsets(%dma_start3A_69 : memref<72xi32, #tpu.memory_space<vmem>>) semaphore(%arg9 : memref<!tpu.dma_semaphore, #tpu.memory_space<semaphore_mem>>)
      %mul3A_73 = arith.constant 200 : i32
      %mul3A_74 = arith.muli %mul3A_38, %mul3A_73 : i32
      %multiple_of3A_75 = tpu.assume_multiple %mul3A_74, 8 : i32
      %mul3A_76 = arith.constant 200 : i32
      %mul3A_77 = arith.muli %mul3A_38, %mul3A_76 : i32
      %add3A_78 = arith.constant 128 : i32
      %add3A_79 = arith.addi %mul3A_77, %add3A_78 : i32
      %multiple_of3A_80 = tpu.assume_multiple %add3A_79, 8 : i32
      %dma_wait3A = arith.constant 0 : i32
      %dma_wait3A_81 = arith.constant 0 : i32
      %dma_wait3A_82 = arith.constant 0 : i32
      %dma_wait3A_83 = tpu.memref_slice %arg6[%dma_wait3A, %dma_wait3A_81, %dma_wait3A_82] : memref<2x200x128xf32, #tpu.memory_space<vmem>> -> memref<1x200x128xf32, #tpu.memory_space<vmem>>
      %dma_wait3A_84 = tpu.memref_squeeze %dma_wait3A_83 : memref<1x200x128xf32, #tpu.memory_space<vmem>> -> memref<200x128xf32, #tpu.memory_space<vmem>>
      %dma_wait3A_85 = arith.constant 0 : i32
      %dma_wait3A_86 = arith.constant 0 : i32
      %dma_wait3A_87 = tpu.memref_slice %dma_wait3A_84[%dma_wait3A_85, %dma_wait3A_86] : memref<200x128xf32, #tpu.memory_space<vmem>> -> memref<128x128xf32, #tpu.memory_space<vmem>>
      %dma_wait3A_88 = tpu.memref_slice %arg5[%multiple_of3A_75] : memref<25600xi32, #tpu.memory_space<vmem>> -> memref<128xi32, #tpu.memory_space<vmem>>
      %dma_wait3A_89 = arith.constant 0 : i32
      %dma_wait3A_90 = arith.constant 0 : i32
      %dma_wait3A_91 = tpu.memref_slice %arg3[%dma_wait3A_89, %dma_wait3A_90] : memref<1000000x128xf32, #tpu.memory_space<hbm>> -> memref<1000000x128xf32, #tpu.memory_space<hbm>>
      tpu.wait_indirect_dma semaphore(%arg8 : memref<!tpu.dma_semaphore, #tpu.memory_space<semaphore_mem>>) src(%dma_wait3A_91 : memref<1000000x128xf32, #tpu.memory_space<hbm>>) dst(%dma_wait3A_87 : memref<128x128xf32, #tpu.memory_space<vmem>>)
      %dma_wait3A_92 = arith.constant 0 : i32
      %dma_wait3A_93 = arith.constant 0 : i32
      %dma_wait3A_94 = arith.constant 0 : i32
      %dma_wait3A_95 = tpu.memref_slice %arg6[%dma_wait3A_92, %dma_wait3A_93, %dma_wait3A_94] : memref<2x200x128xf32, #tpu.memory_space<vmem>> -> memref<1x200x128xf32, #tpu.memory_space<vmem>>
      %dma_wait3A_96 = tpu.memref_squeeze %dma_wait3A_95 : memref<1x200x128xf32, #tpu.memory_space<vmem>> -> memref<200x128xf32, #tpu.memory_space<vmem>>
      %dma_wait3A_97 = arith.constant 128 : i32
      %dma_wait3A_98 = arith.constant 0 : i32
      %dma_wait3A_99 = tpu.memref_slice %dma_wait3A_96[%dma_wait3A_97, %dma_wait3A_98] : memref<200x128xf32, #tpu.memory_space<vmem>> -> memref<72x128xf32, #tpu.memory_space<vmem>>
      %dma_wait3A_100 = tpu.memref_slice %arg5[%multiple_of3A_80] : memref<25600xi32, #tpu.memory_space<vmem>> -> memref<72xi32, #tpu.memory_space<vmem>>
      %dma_wait3A_101 = arith.constant 0 : i32
      %dma_wait3A_102 = arith.constant 0 : i32
      %dma_wait3A_103 = tpu.memref_slice %arg3[%dma_wait3A_101, %dma_wait3A_102] : memref<1000000x128xf32, #tpu.memory_space<hbm>> -> memref<1000000x128xf32, #tpu.memory_space<hbm>>
      tpu.wait_indirect_dma semaphore(%arg8 : memref<!tpu.dma_semaphore, #tpu.memory_space<semaphore_mem>>) src(%dma_wait3A_103 : memref<1000000x128xf32, #tpu.memory_space<hbm>>) dst(%dma_wait3A_99 : memref<72x128xf32, #tpu.memory_space<vmem>>)
      %broadcast_in_dim3A = arith.constant 0.000000e+00 : f32
      %broadcast_in_dim3A_104 = vector.broadcast %broadcast_in_dim3A : f32 to vector<16xf32>
      %scan3A_105 = arith.constant 0 : i32
      %scan3A_106 = arith.constant 200 : i32
      %scan3A_107 = arith.addi %scan3A_105, %scan3A_106 : i32
      %scan3A_108 = arith.constant 1 : i32
      %scan3A_109:8 = scf.for %scan3A_236 = %scan3A_105 to %scan3A_107 step %scan3A_108 iter_args(%scan3A_237 = %broadcast_in_dim3A_104, %scan3A_238 = %broadcast_in_dim3A_104, %scan3A_239 = %broadcast_in_dim3A_104, %scan3A_240 = %broadcast_in_dim3A_104, %scan3A_241 = %broadcast_in_dim3A_104, %scan3A_242 = %broadcast_in_dim3A_104, %scan3A_243 = %broadcast_in_dim3A_104, %scan3A_244 = %broadcast_in_dim3A_104) -> (vector<16xf32>, vector<16xf32>, vector<16xf32>, vector<16xf32>, vector<16xf32>, vector<16xf32>, vector<16xf32>, vector<16xf32>)  : i32 {
        %get3A = arith.constant 0 : i32
        %get3A_245 = arith.index_cast %get3A : i32 to index
        %get3A_246 = arith.index_cast %scan3A_236 : i32 to index
        %get3A_247 = arith.constant 0 : index
        %get3A_248 = tpu.vector_load %arg6[%get3A_245, %get3A_246, %get3A_247] {strides = array<i32>} : memref<2x200x128xf32, #tpu.memory_space<vmem>>, vector<1x1x16xf32>,
        %get3A_249 = vector.shape_cast %get3A_248 : vector<1x1x16xf32> to vector<16xf32>
        %add3A_250 = arith.addf %scan3A_237, %get3A_249 : vector<16xf32>
        %get3A_251 = arith.constant 0 : i32
        %get3A_252 = arith.index_cast %get3A_251 : i32 to index
        %get3A_253 = arith.index_cast %scan3A_236 : i32 to index
        %get3A_254 = arith.constant 16 : index
        %get3A_255 = tpu.vector_load %arg6[%get3A_252, %get3A_253, %get3A_254] {strides = array<i32>} : memref<2x200x128xf32, #tpu.memory_space<vmem>>, vector<1x1x16xf32>,
        %get3A_256 = vector.shape_cast %get3A_255 : vector<1x1x16xf32> to vector<16xf32>
        %add3A_257 = arith.addf %scan3A_238, %get3A_256 : vector<16xf32>
        %get3A_258 = arith.constant 0 : i32
        %get3A_259 = arith.index_cast %get3A_258 : i32 to index
        %get3A_260 = arith.index_cast %scan3A_236 : i32 to index
        %get3A_261 = arith.constant 32 : index
        %get3A_262 = tpu.vector_load %arg6[%get3A_259, %get3A_260, %get3A_261] {strides = array<i32>} : memref<2x200x128xf32, #tpu.memory_space<vmem>>, vector<1x1x16xf32>,
        %get3A_263 = vector.shape_cast %get3A_262 : vector<1x1x16xf32> to vector<16xf32>
        %add3A_264 = arith.addf %scan3A_239, %get3A_263 : vector<16xf32>
        %get3A_265 = arith.constant 0 : i32
        %get3A_266 = arith.index_cast %get3A_265 : i32 to index
        %get3A_267 = arith.index_cast %scan3A_236 : i32 to index
        %get3A_268 = arith.constant 48 : index
        %get3A_269 = tpu.vector_load %arg6[%get3A_266, %get3A_267, %get3A_268] {strides = array<i32>} : memref<2x200x128xf32, #tpu.memory_space<vmem>>, vector<1x1x16xf32>,
        %get3A_270 = vector.shape_cast %get3A_269 : vector<1x1x16xf32> to vector<16xf32>
        %add3A_271 = arith.addf %scan3A_240, %get3A_270 : vector<16xf32>
        %get3A_272 = arith.constant 0 : i32
        %get3A_273 = arith.index_cast %get3A_272 : i32 to index
        %get3A_274 = arith.index_cast %scan3A_236 : i32 to index
        %get3A_275 = arith.constant 64 : index
        %get3A_276 = tpu.vector_load %arg6[%get3A_273, %get3A_274, %get3A_275] {strides = array<i32>} : memref<2x200x128xf32, #tpu.memory_space<vmem>>, vector<1x1x16xf32>,
        %get3A_277 = vector.shape_cast %get3A_276 : vector<1x1x16xf32> to vector<16xf32>
        %add3A_278 = arith.addf %scan3A_241, %get3A_277 : vector<16xf32>
        %get3A_279 = arith.constant 0 : i32
        %get3A_280 = arith.index_cast %get3A_279 : i32 to index
        %get3A_281 = arith.index_cast %scan3A_236 : i32 to index
        %get3A_282 = arith.constant 80 : index
        %get3A_283 = tpu.vector_load %arg6[%get3A_280, %get3A_281, %get3A_282] {strides = array<i32>} : memref<2x200x128xf32, #tpu.memory_space<vmem>>, vector<1x1x16xf32>,
        %get3A_284 = vector.shape_cast %get3A_283 : vector<1x1x16xf32> to vector<16xf32>
        %add3A_285 = arith.addf %scan3A_242, %get3A_284 : vector<16xf32>
        %get3A_286 = arith.constant 0 : i32
        %get3A_287 = arith.index_cast %get3A_286 : i32 to index
        %get3A_288 = arith.index_cast %scan3A_236 : i32 to index
        %get3A_289 = arith.constant 96 : index
        %get3A_290 = tpu.vector_load %arg6[%get3A_287, %get3A_288, %get3A_289] {strides = array<i32>} : memref<2x200x128xf32, #tpu.memory_space<vmem>>, vector<1x1x16xf32>,
        %get3A_291 = vector.shape_cast %get3A_290 : vector<1x1x16xf32> to vector<16xf32>
        %add3A_292 = arith.addf %scan3A_243, %get3A_291 : vector<16xf32>
        %get3A_293 = arith.constant 0 : i32
        %get3A_294 = arith.index_cast %get3A_293 : i32 to index
        %get3A_295 = arith.index_cast %scan3A_236 : i32 to index
        %get3A_296 = arith.constant 112 : index
        %get3A_297 = tpu.vector_load %arg6[%get3A_294, %get3A_295, %get3A_296] {strides = array<i32>} : memref<2x200x128xf32, #tpu.memory_space<vmem>>, vector<1x1x16xf32>,
        %get3A_298 = vector.shape_cast %get3A_297 : vector<1x1x16xf32> to vector<16xf32>
        %add3A_299 = arith.addf %scan3A_244, %get3A_298 : vector<16xf32>
        scf.yield %add3A_250, %add3A_257, %add3A_264, %add3A_271, %add3A_278, %add3A_285, %add3A_292, %add3A_299 : vector<16xf32>, vector<16xf32>, vector<16xf32>, vector<16xf32>, vector<16xf32>, vector<16xf32>, vector<16xf32>, vector<16xf32>
      }
      %scan3A_110 = arith.constant 200 : i32
      %swap3A = arith.index_cast %mul3A_38 : i32 to index
      %swap3A_111 = arith.constant 0 : index
      %swap3A_112 = tpu.vector_load %arg7[%swap3A, %swap3A_111] {strides = array<i32>} : memref<128x128xf32, #tpu.memory_space<vmem>>, vector<1x16xf32>,
      %swap3A_113 = vector.shape_cast %swap3A_112 : vector<1x16xf32> to vector<16xf32>
      %swap3A_114 = vector.shape_cast %scan3A_109#0 : vector<16xf32> to vector<1x16xf32>
      tpu.vector_store %arg7[%swap3A, %swap3A_111], %swap3A_114 {strides = array<i32>} : memref<128x128xf32, #tpu.memory_space<vmem>>, vector<1x16xf32>,
      %swap3A_115 = arith.index_cast %mul3A_38 : i32 to index
      %swap3A_116 = arith.constant 16 : index
      %swap3A_117 = tpu.vector_load %arg7[%swap3A_115, %swap3A_116] {strides = array<i32>} : memref<128x128xf32, #tpu.memory_space<vmem>>, vector<1x16xf32>,
      %swap3A_118 = vector.shape_cast %swap3A_117 : vector<1x16xf32> to vector<16xf32>
      %swap3A_119 = vector.shape_cast %scan3A_109#1 : vector<16xf32> to vector<1x16xf32>
      tpu.vector_store %arg7[%swap3A_115, %swap3A_116], %swap3A_119 {strides = array<i32>} : memref<128x128xf32, #tpu.memory_space<vmem>>, vector<1x16xf32>,
      %swap3A_120 = arith.index_cast %mul3A_38 : i32 to index
      %swap3A_121 = arith.constant 32 : index
      %swap3A_122 = tpu.vector_load %arg7[%swap3A_120, %swap3A_121] {strides = array<i32>} : memref<128x128xf32, #tpu.memory_space<vmem>>, vector<1x16xf32>,
      %swap3A_123 = vector.shape_cast %swap3A_122 : vector<1x16xf32> to vector<16xf32>
      %swap3A_124 = vector.shape_cast %scan3A_109#2 : vector<16xf32> to vector<1x16xf32>
      tpu.vector_store %arg7[%swap3A_120, %swap3A_121], %swap3A_124 {strides = array<i32>} : memref<128x128xf32, #tpu.memory_space<vmem>>, vector<1x16xf32>,
      %swap3A_125 = arith.index_cast %mul3A_38 : i32 to index
      %swap3A_126 = arith.constant 48 : index
      %swap3A_127 = tpu.vector_load %arg7[%swap3A_125, %swap3A_126] {strides = array<i32>} : memref<128x128xf32, #tpu.memory_space<vmem>>, vector<1x16xf32>,
      %swap3A_128 = vector.shape_cast %swap3A_127 : vector<1x16xf32> to vector<16xf32>
      %swap3A_129 = vector.shape_cast %scan3A_109#3 : vector<16xf32> to vector<1x16xf32>
      tpu.vector_store %arg7[%swap3A_125, %swap3A_126], %swap3A_129 {strides = array<i32>} : memref<128x128xf32, #tpu.memory_space<vmem>>, vector<1x16xf32>,
      %swap3A_130 = arith.index_cast %mul3A_38 : i32 to index
      %swap3A_131 = arith.constant 64 : index
      %swap3A_132 = tpu.vector_load %arg7[%swap3A_130, %swap3A_131] {strides = array<i32>} : memref<128x128xf32, #tpu.memory_space<vmem>>, vector<1x16xf32>,
      %swap3A_133 = vector.shape_cast %swap3A_132 : vector<1x16xf32> to vector<16xf32>
      %swap3A_134 = vector.shape_cast %scan3A_109#4 : vector<16xf32> to vector<1x16xf32>
      tpu.vector_store %arg7[%swap3A_130, %swap3A_131], %swap3A_134 {strides = array<i32>} : memref<128x128xf32, #tpu.memory_space<vmem>>, vector<1x16xf32>,
      %swap3A_135 = arith.index_cast %mul3A_38 : i32 to index
      %swap3A_136 = arith.constant 80 : index
      %swap3A_137 = tpu.vector_load %arg7[%swap3A_135, %swap3A_136] {strides = array<i32>} : memref<128x128xf32, #tpu.memory_space<vmem>>, vector<1x16xf32>,
      %swap3A_138 = vector.shape_cast %swap3A_137 : vector<1x16xf32> to vector<16xf32>
      %swap3A_139 = vector.shape_cast %scan3A_109#5 : vector<16xf32> to vector<1x16xf32>
      tpu.vector_store %arg7[%swap3A_135, %swap3A_136], %swap3A_139 {strides = array<i32>} : memref<128x128xf32, #tpu.memory_space<vmem>>, vector<1x16xf32>,
      %swap3A_140 = arith.index_cast %mul3A_38 : i32 to index
      %swap3A_141 = arith.constant 96 : index
      %swap3A_142 = tpu.vector_load %arg7[%swap3A_140, %swap3A_141] {strides = array<i32>} : memref<128x128xf32, #tpu.memory_space<vmem>>, vector<1x16xf32>,
      %swap3A_143 = vector.shape_cast %swap3A_142 : vector<1x16xf32> to vector<16xf32>
      %swap3A_144 = vector.shape_cast %scan3A_109#6 : vector<16xf32> to vector<1x16xf32>
      tpu.vector_store %arg7[%swap3A_140, %swap3A_141], %swap3A_144 {strides = array<i32>} : memref<128x128xf32, #tpu.memory_space<vmem>>, vector<1x16xf32>,
      %swap3A_145 = arith.index_cast %mul3A_38 : i32 to index
      %swap3A_146 = arith.constant 112 : index
      %swap3A_147 = tpu.vector_load %arg7[%swap3A_145, %swap3A_146] {strides = array<i32>} : memref<128x128xf32, #tpu.memory_space<vmem>>, vector<1x16xf32>,
      %swap3A_148 = vector.shape_cast %swap3A_147 : vector<1x16xf32> to vector<16xf32>
      %swap3A_149 = vector.shape_cast %scan3A_109#7 : vector<16xf32> to vector<1x16xf32>
      tpu.vector_store %arg7[%swap3A_145, %swap3A_146], %swap3A_149 {strides = array<i32>} : memref<128x128xf32, #tpu.memory_space<vmem>>, vector<1x16xf32>,
      %lt3A = arith.constant 63 : i32
      %lt3A_150 = arith.cmpi slt, %scan3A_36, %lt3A : i32
      %convert_element_type3A = arith.extui %lt3A_150 : i1 to i32
      %cond3A = arith.constant 0 : i32
      %cond3A_151 = arith.cmpi ne, %convert_element_type3A, %cond3A : i32
      scf.if %cond3A_151 {
        %add3A_236 = arith.constant 2 : i32
        %add3A_237 = arith.addi %mul3A_38, %add3A_236 : i32
        %mul3A_238 = arith.constant 200 : i32
        %mul3A_239 = arith.muli %add3A_237, %mul3A_238 : i32
        %multiple_of3A_240 = tpu.assume_multiple %mul3A_239, 8 : i32
        %mul3A_241 = arith.constant 200 : i32
        %mul3A_242 = arith.muli %add3A_237, %mul3A_241 : i32
        %add3A_243 = arith.constant 128 : i32
        %add3A_244 = arith.addi %mul3A_242, %add3A_243 : i32
        %multiple_of3A_245 = tpu.assume_multiple %add3A_244, 8 : i32
        %dma_start3A_246 = arith.constant 0 : i32
        %dma_start3A_247 = arith.constant 0 : i32
        %dma_start3A_248 = arith.constant 0 : i32
        %dma_start3A_249 = tpu.memref_slice %arg6[%dma_start3A_246, %dma_start3A_247, %dma_start3A_248] : memref<2x200x128xf32, #tpu.memory_space<vmem>> -> memref<1x200x128xf32, #tpu.memory_space<vmem>>
        %dma_start3A_250 = tpu.memref_squeeze %dma_start3A_249 : memref<1x200x128xf32, #tpu.memory_space<vmem>> -> memref<200x128xf32, #tpu.memory_space<vmem>>
        %dma_start3A_251 = arith.constant 0 : i32
        %dma_start3A_252 = arith.constant 0 : i32
        %dma_start3A_253 = tpu.memref_slice %dma_start3A_250[%dma_start3A_251, %dma_start3A_252] : memref<200x128xf32, #tpu.memory_space<vmem>> -> memref<128x128xf32, #tpu.memory_space<vmem>>
        %dma_start3A_254 = tpu.memref_slice %arg5[%multiple_of3A_240] : memref<25600xi32, #tpu.memory_space<vmem>> -> memref<128xi32, #tpu.memory_space<vmem>>
        %dma_start3A_255 = arith.constant 0 : i32
        %dma_start3A_256 = arith.constant 0 : i32
        %dma_start3A_257 = tpu.memref_slice %arg3[%dma_start3A_255, %dma_start3A_256] : memref<1000000x128xf32, #tpu.memory_space<hbm>> -> memref<1000000x128xf32, #tpu.memory_space<hbm>>
        tpu.enqueue_indirect_dma source(%dma_start3A_257 : memref<1000000x128xf32, #tpu.memory_space<hbm>>) target(%dma_start3A_253 : memref<128x128xf32, #tpu.memory_space<vmem>>) offsets(%dma_start3A_254 : memref<128xi32, #tpu.memory_space<vmem>>) semaphore(%arg8 : memref<!tpu.dma_semaphore, #tpu.memory_space<semaphore_mem>>)
        %dma_start3A_258 = arith.constant 0 : i32
        %dma_start3A_259 = arith.constant 0 : i32
        %dma_start3A_260 = arith.constant 0 : i32
        %dma_start3A_261 = tpu.memref_slice %arg6[%dma_start3A_258, %dma_start3A_259, %dma_start3A_260] : memref<2x200x128xf32, #tpu.memory_space<vmem>> -> memref<1x200x128xf32, #tpu.memory_space<vmem>>
        %dma_start3A_262 = tpu.memref_squeeze %dma_start3A_261 : memref<1x200x128xf32, #tpu.memory_space<vmem>> -> memref<200x128xf32, #tpu.memory_space<vmem>>
        %dma_start3A_263 = arith.constant 128 : i32
        %dma_start3A_264 = arith.constant 0 : i32
        %dma_start3A_265 = tpu.memref_slice %dma_start3A_262[%dma_start3A_263, %dma_start3A_264] : memref<200x128xf32, #tpu.memory_space<vmem>> -> memref<72x128xf32, #tpu.memory_space<vmem>>
        %dma_start3A_266 = tpu.memref_slice %arg5[%multiple_of3A_245] : memref<25600xi32, #tpu.memory_space<vmem>> -> memref<72xi32, #tpu.memory_space<vmem>>
        %dma_start3A_267 = arith.constant 0 : i32
        %dma_start3A_268 = arith.constant 0 : i32
        %dma_start3A_269 = tpu.memref_slice %arg3[%dma_start3A_267, %dma_start3A_268] : memref<1000000x128xf32, #tpu.memory_space<hbm>> -> memref<1000000x128xf32, #tpu.memory_space<hbm>>
        tpu.enqueue_indirect_dma source(%dma_start3A_269 : memref<1000000x128xf32, #tpu.memory_space<hbm>>) target(%dma_start3A_265 : memref<72x128xf32, #tpu.memory_space<vmem>>) offsets(%dma_start3A_266 : memref<72xi32, #tpu.memory_space<vmem>>) semaphore(%arg8 : memref<!tpu.dma_semaphore, #tpu.memory_space<semaphore_mem>>)
      } else {
      }
      %add3A_152 = arith.constant 1 : i32
      %add3A_153 = arith.addi %mul3A_38, %add3A_152 : i32
      %mul3A_154 = arith.constant 200 : i32
      %mul3A_155 = arith.muli %add3A_153, %mul3A_154 : i32
      %multiple_of3A_156 = tpu.assume_multiple %mul3A_155, 8 : i32
      %mul3A_157 = arith.constant 200 : i32
      %mul3A_158 = arith.muli %add3A_153, %mul3A_157 : i32
      %add3A_159 = arith.constant 128 : i32
      %add3A_160 = arith.addi %mul3A_158, %add3A_159 : i32
      %multiple_of3A_161 = tpu.assume_multiple %add3A_160, 8 : i32
      %dma_wait3A_162 = arith.constant 1 : i32
      %dma_wait3A_163 = arith.constant 0 : i32
      %dma_wait3A_164 = arith.constant 0 : i32
      %dma_wait3A_165 = tpu.memref_slice %arg6[%dma_wait3A_162, %dma_wait3A_163, %dma_wait3A_164] : memref<2x200x128xf32, #tpu.memory_space<vmem>> -> memref<1x200x128xf32, #tpu.memory_space<vmem>>
      %dma_wait3A_166 = tpu.memref_squeeze %dma_wait3A_165 : memref<1x200x128xf32, #tpu.memory_space<vmem>> -> memref<200x128xf32, #tpu.memory_space<vmem>>
      %dma_wait3A_167 = arith.constant 0 : i32
      %dma_wait3A_168 = arith.constant 0 : i32
      %dma_wait3A_169 = tpu.memref_slice %dma_wait3A_166[%dma_wait3A_167, %dma_wait3A_168] : memref<200x128xf32, #tpu.memory_space<vmem>> -> memref<128x128xf32, #tpu.memory_space<vmem>>
      %dma_wait3A_170 = tpu.memref_slice %arg5[%multiple_of3A_156] : memref<25600xi32, #tpu.memory_space<vmem>> -> memref<128xi32, #tpu.memory_space<vmem>>
      %dma_wait3A_171 = arith.constant 0 : i32
      %dma_wait3A_172 = arith.constant 0 : i32
      %dma_wait3A_173 = tpu.memref_slice %arg3[%dma_wait3A_171, %dma_wait3A_172] : memref<1000000x128xf32, #tpu.memory_space<hbm>> -> memref<1000000x128xf32, #tpu.memory_space<hbm>>
      tpu.wait_indirect_dma semaphore(%arg9 : memref<!tpu.dma_semaphore, #tpu.memory_space<semaphore_mem>>) src(%dma_wait3A_173 : memref<1000000x128xf32, #tpu.memory_space<hbm>>) dst(%dma_wait3A_169 : memref<128x128xf32, #tpu.memory_space<vmem>>)
      %dma_wait3A_174 = arith.constant 1 : i32
      %dma_wait3A_175 = arith.constant 0 : i32
      %dma_wait3A_176 = arith.constant 0 : i32
      %dma_wait3A_177 = tpu.memref_slice %arg6[%dma_wait3A_174, %dma_wait3A_175, %dma_wait3A_176] : memref<2x200x128xf32, #tpu.memory_space<vmem>> -> memref<1x200x128xf32, #tpu.memory_space<vmem>>
      %dma_wait3A_178 = tpu.memref_squeeze %dma_wait3A_177 : memref<1x200x128xf32, #tpu.memory_space<vmem>> -> memref<200x128xf32, #tpu.memory_space<vmem>>
      %dma_wait3A_179 = arith.constant 128 : i32
      %dma_wait3A_180 = arith.constant 0 : i32
      %dma_wait3A_181 = tpu.memref_slice %dma_wait3A_178[%dma_wait3A_179, %dma_wait3A_180] : memref<200x128xf32, #tpu.memory_space<vmem>> -> memref<72x128xf32, #tpu.memory_space<vmem>>
      %dma_wait3A_182 = tpu.memref_slice %arg5[%multiple_of3A_161] : memref<25600xi32, #tpu.memory_space<vmem>> -> memref<72xi32, #tpu.memory_space<vmem>>
      %dma_wait3A_183 = arith.constant 0 : i32
      %dma_wait3A_184 = arith.constant 0 : i32
      %dma_wait3A_185 = tpu.memref_slice %arg3[%dma_wait3A_183, %dma_wait3A_184] : memref<1000000x128xf32, #tpu.memory_space<hbm>> -> memref<1000000x128xf32, #tpu.memory_space<hbm>>
      tpu.wait_indirect_dma semaphore(%arg9 : memref<!tpu.dma_semaphore, #tpu.memory_space<semaphore_mem>>) src(%dma_wait3A_185 : memref<1000000x128xf32, #tpu.memory_space<hbm>>) dst(%dma_wait3A_181 : memref<72x128xf32, #tpu.memory_space<vmem>>)
      %add3A_186 = arith.constant 1 : i32
      %add3A_187 = arith.addi %mul3A_38, %add3A_186 : i32
      %broadcast_in_dim3A_188 = arith.constant 0.000000e+00 : f32
      %broadcast_in_dim3A_189 = vector.broadcast %broadcast_in_dim3A_188 : f32 to vector<16xf32>
      %scan3A_190 = arith.constant 0 : i32
      %scan3A_191 = arith.constant 200 : i32
      %scan3A_192 = arith.addi %scan3A_190, %scan3A_191 : i32
      %scan3A_193 = arith.constant 1 : i32
      %scan3A_194:8 = scf.for %scan3A_236 = %scan3A_190 to %scan3A_192 step %scan3A_193 iter_args(%scan3A_237 = %broadcast_in_dim3A_189, %scan3A_238 = %broadcast_in_dim3A_189, %scan3A_239 = %broadcast_in_dim3A_189, %scan3A_240 = %broadcast_in_dim3A_189, %scan3A_241 = %broadcast_in_dim3A_189, %scan3A_242 = %broadcast_in_dim3A_189, %scan3A_243 = %broadcast_in_dim3A_189, %scan3A_244 = %broadcast_in_dim3A_189) -> (vector<16xf32>, vector<16xf32>, vector<16xf32>, vector<16xf32>, vector<16xf32>, vector<16xf32>, vector<16xf32>, vector<16xf32>)  : i32 {
        %get3A = arith.constant 1 : i32
        %get3A_245 = arith.index_cast %get3A : i32 to index
        %get3A_246 = arith.index_cast %scan3A_236 : i32 to index
        %get3A_247 = arith.constant 0 : index
        %get3A_248 = tpu.vector_load %arg6[%get3A_245, %get3A_246, %get3A_247] {strides = array<i32>} : memref<2x200x128xf32, #tpu.memory_space<vmem>>, vector<1x1x16xf32>,
        %get3A_249 = vector.shape_cast %get3A_248 : vector<1x1x16xf32> to vector<16xf32>
        %add3A_250 = arith.addf %scan3A_237, %get3A_249 : vector<16xf32>
        %get3A_251 = arith.constant 1 : i32
        %get3A_252 = arith.index_cast %get3A_251 : i32 to index
        %get3A_253 = arith.index_cast %scan3A_236 : i32 to index
        %get3A_254 = arith.constant 16 : index
        %get3A_255 = tpu.vector_load %arg6[%get3A_252, %get3A_253, %get3A_254] {strides = array<i32>} : memref<2x200x128xf32, #tpu.memory_space<vmem>>, vector<1x1x16xf32>,
        %get3A_256 = vector.shape_cast %get3A_255 : vector<1x1x16xf32> to vector<16xf32>
        %add3A_257 = arith.addf %scan3A_238, %get3A_256 : vector<16xf32>
        %get3A_258 = arith.constant 1 : i32
        %get3A_259 = arith.index_cast %get3A_258 : i32 to index
        %get3A_260 = arith.index_cast %scan3A_236 : i32 to index
        %get3A_261 = arith.constant 32 : index
        %get3A_262 = tpu.vector_load %arg6[%get3A_259, %get3A_260, %get3A_261] {strides = array<i32>} : memref<2x200x128xf32, #tpu.memory_space<vmem>>, vector<1x1x16xf32>,
        %get3A_263 = vector.shape_cast %get3A_262 : vector<1x1x16xf32> to vector<16xf32>
        %add3A_264 = arith.addf %scan3A_239, %get3A_263 : vector<16xf32>
        %get3A_265 = arith.constant 1 : i32
        %get3A_266 = arith.index_cast %get3A_265 : i32 to index
        %get3A_267 = arith.index_cast %scan3A_236 : i32 to index
        %get3A_268 = arith.constant 48 : index
        %get3A_269 = tpu.vector_load %arg6[%get3A_266, %get3A_267, %get3A_268] {strides = array<i32>} : memref<2x200x128xf32, #tpu.memory_space<vmem>>, vector<1x1x16xf32>,
        %get3A_270 = vector.shape_cast %get3A_269 : vector<1x1x16xf32> to vector<16xf32>
        %add3A_271 = arith.addf %scan3A_240, %get3A_270 : vector<16xf32>
        %get3A_272 = arith.constant 1 : i32
        %get3A_273 = arith.index_cast %get3A_272 : i32 to index
        %get3A_274 = arith.index_cast %scan3A_236 : i32 to index
        %get3A_275 = arith.constant 64 : index
        %get3A_276 = tpu.vector_load %arg6[%get3A_273, %get3A_274, %get3A_275] {strides = array<i32>} : memref<2x200x128xf32, #tpu.memory_space<vmem>>, vector<1x1x16xf32>,
        %get3A_277 = vector.shape_cast %get3A_276 : vector<1x1x16xf32> to vector<16xf32>
        %add3A_278 = arith.addf %scan3A_241, %get3A_277 : vector<16xf32>
        %get3A_279 = arith.constant 1 : i32
        %get3A_280 = arith.index_cast %get3A_279 : i32 to index
        %get3A_281 = arith.index_cast %scan3A_236 : i32 to index
        %get3A_282 = arith.constant 80 : index
        %get3A_283 = tpu.vector_load %arg6[%get3A_280, %get3A_281, %get3A_282] {strides = array<i32>} : memref<2x200x128xf32, #tpu.memory_space<vmem>>, vector<1x1x16xf32>,
        %get3A_284 = vector.shape_cast %get3A_283 : vector<1x1x16xf32> to vector<16xf32>
        %add3A_285 = arith.addf %scan3A_242, %get3A_284 : vector<16xf32>
        %get3A_286 = arith.constant 1 : i32
        %get3A_287 = arith.index_cast %get3A_286 : i32 to index
        %get3A_288 = arith.index_cast %scan3A_236 : i32 to index
        %get3A_289 = arith.constant 96 : index
        %get3A_290 = tpu.vector_load %arg6[%get3A_287, %get3A_288, %get3A_289] {strides = array<i32>} : memref<2x200x128xf32, #tpu.memory_space<vmem>>, vector<1x1x16xf32>,
        %get3A_291 = vector.shape_cast %get3A_290 : vector<1x1x16xf32> to vector<16xf32>
        %add3A_292 = arith.addf %scan3A_243, %get3A_291 : vector<16xf32>
        %get3A_293 = arith.constant 1 : i32
        %get3A_294 = arith.index_cast %get3A_293 : i32 to index
        %get3A_295 = arith.index_cast %scan3A_236 : i32 to index
        %get3A_296 = arith.constant 112 : index
        %get3A_297 = tpu.vector_load %arg6[%get3A_294, %get3A_295, %get3A_296] {strides = array<i32>} : memref<2x200x128xf32, #tpu.memory_space<vmem>>, vector<1x1x16xf32>,
        %get3A_298 = vector.shape_cast %get3A_297 : vector<1x1x16xf32> to vector<16xf32>
        %add3A_299 = arith.addf %scan3A_244, %get3A_298 : vector<16xf32>
        scf.yield %add3A_250, %add3A_257, %add3A_264, %add3A_271, %add3A_278, %add3A_285, %add3A_292, %add3A_299 : vector<16xf32>, vector<16xf32>, vector<16xf32>, vector<16xf32>, vector<16xf32>, vector<16xf32>, vector<16xf32>, vector<16xf32>
      }
      %scan3A_195 = arith.constant 200 : i32
      %swap3A_196 = arith.index_cast %add3A_187 : i32 to index
      %swap3A_197 = arith.constant 0 : index
      %swap3A_198 = tpu.vector_load %arg7[%swap3A_196, %swap3A_197] {strides = array<i32>} : memref<128x128xf32, #tpu.memory_space<vmem>>, vector<1x16xf32>,
      %swap3A_199 = vector.shape_cast %swap3A_198 : vector<1x16xf32> to vector<16xf32>
      %swap3A_200 = vector.shape_cast %scan3A_194#0 : vector<16xf32> to vector<1x16xf32>
      tpu.vector_store %arg7[%swap3A_196, %swap3A_197], %swap3A_200 {strides = array<i32>} : memref<128x128xf32, #tpu.memory_space<vmem>>, vector<1x16xf32>,
      %swap3A_201 = arith.index_cast %add3A_187 : i32 to index
      %swap3A_202 = arith.constant 16 : index
      %swap3A_203 = tpu.vector_load %arg7[%swap3A_201, %swap3A_202] {strides = array<i32>} : memref<128x128xf32, #tpu.memory_space<vmem>>, vector<1x16xf32>,
      %swap3A_204 = vector.shape_cast %swap3A_203 : vector<1x16xf32> to vector<16xf32>
      %swap3A_205 = vector.shape_cast %scan3A_194#1 : vector<16xf32> to vector<1x16xf32>
      tpu.vector_store %arg7[%swap3A_201, %swap3A_202], %swap3A_205 {strides = array<i32>} : memref<128x128xf32, #tpu.memory_space<vmem>>, vector<1x16xf32>,
      %swap3A_206 = arith.index_cast %add3A_187 : i32 to index
      %swap3A_207 = arith.constant 32 : index
      %swap3A_208 = tpu.vector_load %arg7[%swap3A_206, %swap3A_207] {strides = array<i32>} : memref<128x128xf32, #tpu.memory_space<vmem>>, vector<1x16xf32>,
      %swap3A_209 = vector.shape_cast %swap3A_208 : vector<1x16xf32> to vector<16xf32>
      %swap3A_210 = vector.shape_cast %scan3A_194#2 : vector<16xf32> to vector<1x16xf32>
      tpu.vector_store %arg7[%swap3A_206, %swap3A_207], %swap3A_210 {strides = array<i32>} : memref<128x128xf32, #tpu.memory_space<vmem>>, vector<1x16xf32>,
      %swap3A_211 = arith.index_cast %add3A_187 : i32 to index
      %swap3A_212 = arith.constant 48 : index
      %swap3A_213 = tpu.vector_load %arg7[%swap3A_211, %swap3A_212] {strides = array<i32>} : memref<128x128xf32, #tpu.memory_space<vmem>>, vector<1x16xf32>,
      %swap3A_214 = vector.shape_cast %swap3A_213 : vector<1x16xf32> to vector<16xf32>
      %swap3A_215 = vector.shape_cast %scan3A_194#3 : vector<16xf32> to vector<1x16xf32>
      tpu.vector_store %arg7[%swap3A_211, %swap3A_212], %swap3A_215 {strides = array<i32>} : memref<128x128xf32, #tpu.memory_space<vmem>>, vector<1x16xf32>,
      %swap3A_216 = arith.index_cast %add3A_187 : i32 to index
      %swap3A_217 = arith.constant 64 : index
      %swap3A_218 = tpu.vector_load %arg7[%swap3A_216, %swap3A_217] {strides = array<i32>} : memref<128x128xf32, #tpu.memory_space<vmem>>, vector<1x16xf32>,
      %swap3A_219 = vector.shape_cast %swap3A_218 : vector<1x16xf32> to vector<16xf32>
      %swap3A_220 = vector.shape_cast %scan3A_194#4 : vector<16xf32> to vector<1x16xf32>
      tpu.vector_store %arg7[%swap3A_216, %swap3A_217], %swap3A_220 {strides = array<i32>} : memref<128x128xf32, #tpu.memory_space<vmem>>, vector<1x16xf32>,
      %swap3A_221 = arith.index_cast %add3A_187 : i32 to index
      %swap3A_222 = arith.constant 80 : index
      %swap3A_223 = tpu.vector_load %arg7[%swap3A_221, %swap3A_222] {strides = array<i32>} : memref<128x128xf32, #tpu.memory_space<vmem>>, vector<1x16xf32>,
      %swap3A_224 = vector.shape_cast %swap3A_223 : vector<1x16xf32> to vector<16xf32>
      %swap3A_225 = vector.shape_cast %scan3A_194#5 : vector<16xf32> to vector<1x16xf32>
      tpu.vector_store %arg7[%swap3A_221, %swap3A_222], %swap3A_225 {strides = array<i32>} : memref<128x128xf32, #tpu.memory_space<vmem>>, vector<1x16xf32>,
      %swap3A_226 = arith.index_cast %add3A_187 : i32 to index
      %swap3A_227 = arith.constant 96 : index
      %swap3A_228 = tpu.vector_load %arg7[%swap3A_226, %swap3A_227] {strides = array<i32>} : memref<128x128xf32, #tpu.memory_space<vmem>>, vector<1x16xf32>,
      %swap3A_229 = vector.shape_cast %swap3A_228 : vector<1x16xf32> to vector<16xf32>
      %swap3A_230 = vector.shape_cast %scan3A_194#6 : vector<16xf32> to vector<1x16xf32>
      tpu.vector_store %arg7[%swap3A_226, %swap3A_227], %swap3A_230 {strides = array<i32>} : memref<128x128xf32, #tpu.memory_space<vmem>>, vector<1x16xf32>,
      %swap3A_231 = arith.index_cast %add3A_187 : i32 to index
      %swap3A_232 = arith.constant 112 : index
      %swap3A_233 = tpu.vector_load %arg7[%swap3A_231, %swap3A_232] {strides = array<i32>} : memref<128x128xf32, #tpu.memory_space<vmem>>, vector<1x16xf32>,
      %swap3A_234 = vector.shape_cast %swap3A_233 : vector<1x16xf32> to vector<16xf32>
      %swap3A_235 = vector.shape_cast %scan3A_194#7 : vector<16xf32> to vector<1x16xf32>
      tpu.vector_store %arg7[%swap3A_231, %swap3A_232], %swap3A_235 {strides = array<i32>} : memref<128x128xf32, #tpu.memory_space<vmem>>, vector<1x16xf32>,
    }
    %scan3A_35 = arith.constant 64 : i32
    "tpu.region"() ({
      %run_scoped3A = tpu.sem_alloc : memref<!tpu.dma_semaphore, #tpu.memory_space<semaphore_mem>>
      %dma_start3A_36 = arith.constant 0 : i32
      %dma_start3A_37 = tpu.memref_slice %arg4[%mul3A_2, %dma_start3A_36] : memref<4096x128xf32, #tpu.memory_space<hbm>> -> memref<128x128xf32, #tpu.memory_space<hbm>>
      %dma_start3A_38 = arith.constant 0 : i32
      %dma_start3A_39 = tpu.memref_slice %arg4[%mul3A_2, %dma_start3A_38] : memref<4096x128xf32, #tpu.memory_space<hbm>> -> memref<128x128xf32, #tpu.memory_space<hbm>>
      tpu.enqueue_dma source(%arg7 : memref<128x128xf32, #tpu.memory_space<vmem>>) target(%dma_start3A_39 : memref<128x128xf32, #tpu.memory_space<hbm>>) target_semaphore(%run_scoped3A : memref<!tpu.dma_semaphore, #tpu.memory_space<semaphore_mem>>)
      %dma_wait3A = arith.constant 0 : i32
      %dma_wait3A_40 = tpu.memref_slice %arg4[%mul3A_2, %dma_wait3A] : memref<4096x128xf32, #tpu.memory_space<hbm>> -> memref<128x128xf32, #tpu.memory_space<hbm>>
      %dma_wait3A_41 = arith.constant 0 : i32
      %dma_wait3A_42 = tpu.memref_slice %arg4[%mul3A_2, %dma_wait3A_41] : memref<4096x128xf32, #tpu.memory_space<hbm>> -> memref<128x128xf32, #tpu.memory_space<hbm>>
      tpu.wait_dma2 semaphore(%run_scoped3A : memref<!tpu.dma_semaphore, #tpu.memory_space<semaphore_mem>>) src(%arg7 : memref<128x128xf32, #tpu.memory_space<vmem>>) dst(%dma_wait3A_42 : memref<128x128xf32, #tpu.memory_space<hbm>>)
      tpu.yield
    }) : () -> ()
    return
  }
}

module attributes {stable_mosaic.version = 14 : i64} {
  func.func @_project_body(%arg0: i32, %arg1: memref<64x20480xf32, #tpu.memory_space<vmem>>, %arg2: memref<128x64xf32, #tpu.memory_space<vmem>>, %arg3: memref<1x128xf32, #tpu.memory_space<vmem>>, %arg4: memref<20480x128xf32, #tpu.memory_space<vmem>>) attributes {dimension_semantics = [#tpu.dimension_semantics<arbitrary>], iteration_bounds = array<i64: 49>, scalar_prefetch = 0 : i64, scratch_operands = 0 : i64, tpu.core_type = #tpu.core_type<tc>, window_params = [{transform_indices = @transform_0, window_bounds = array<i64: 64, 20480>}, {pipeline_mode = #tpu.pipeline_mode<synchronous>, transform_indices = @transform_1, window_bounds = array<i64: 128, 64>}, {pipeline_mode = #tpu.pipeline_mode<synchronous>, transform_indices = @transform_2, window_bounds = array<i64: 1, 128>}, {transform_indices = @transform_3, window_bounds = array<i64: 20480, 128>}]} {
    %get3A = arith.constant 0 : index
    %get3A_0 = arith.constant 0 : index
    %get3A_1 = vector.load %arg1[%get3A, %get3A_0] : memref<64x20480xf32, #tpu.memory_space<vmem>>, vector<64x20480xf32>
    %get3A_2 = arith.constant 0 : index
    %get3A_3 = arith.constant 0 : index
    %get3A_4 = vector.load %arg2[%get3A_2, %get3A_3] : memref<128x64xf32, #tpu.memory_space<vmem>>, vector<128x64xf32>
    %dot_general3A = arith.constant dense<0.000000e+00> : vector<20480x128xf32>
    %dot_general3A_5 = tpu.matmul %get3A_1, %get3A_4, %dot_general3A {dimension_numbers = #tpu.dot_dimension_numbers<[0], [1], [1], [0], [0, 1, 1, 0], [], []>, transpose_lhs_hint = false} : vector<64x20480xf32>, vector<128x64xf32>, vector<20480x128xf32> -> vector<20480x128xf32>
    %get3A_6 = arith.constant 0 : index
    %get3A_7 = arith.constant 0 : index
    %get3A_8 = vector.load %arg3[%get3A_6, %get3A_7] : memref<1x128xf32, #tpu.memory_space<vmem>>, vector<1x128xf32>
    %add3A = vector.broadcast %get3A_8 : vector<1x128xf32> to vector<20480x128xf32>
    %add3A_9 = arith.addf %dot_general3A_5, %add3A : vector<20480x128xf32>
    %swap3A = arith.constant 0 : index
    %swap3A_10 = arith.constant 0 : index
    %swap3A_11 = vector.load %arg4[%swap3A, %swap3A_10] : memref<20480x128xf32, #tpu.memory_space<vmem>>, vector<20480x128xf32>
    tpu.vector_store %arg4[%swap3A, %swap3A_10], %add3A_9 {strides = array<i32>} : memref<20480x128xf32, #tpu.memory_space<vmem>>, vector<20480x128xf32>,
    return
  }
  func.func @transform_0(%arg0: i32) -> (i32, i32) {
    %c0_i32 = arith.constant 0 : i32
    %c0_i32_0 = arith.constant 0 : i32
    return %c0_i32, %arg0 : i32, i32
  }
  func.func @transform_1(%arg0: i32) -> (i32, i32) {
    %c0_i32 = arith.constant 0 : i32
    %c0_i32_0 = arith.constant 0 : i32
    %c0_i32_1 = arith.constant 0 : i32
    return %c0_i32, %c0_i32_0 : i32, i32
  }
  func.func @transform_2(%arg0: i32) -> (i32, i32) {
    %c0_i32 = arith.constant 0 : i32
    %c0_i32_0 = arith.constant 0 : i32
    %c0_i32_1 = arith.constant 0 : i32
    return %c0_i32, %c0_i32_0 : i32, i32
  }
  func.func @transform_3(%arg0: i32) -> (i32, i32) {
    %c0_i32 = arith.constant 0 : i32
    %c0_i32_0 = arith.constant 0 : i32
    return %arg0, %c0_i32 : i32, i32
  }
}

module attributes {stable_mosaic.version = 14 : i64} {
  func.func @_head_body(%arg0: i32, %arg1: memref<1024x128xf32, #tpu.memory_space<vmem>>, %arg2: memref<1024x128xf32, #tpu.memory_space<vmem>>) attributes {dimension_semantics = [#tpu.dimension_semantics<arbitrary>], iteration_bounds = array<i64: 4>, scalar_prefetch = 0 : i64, scratch_operands = 0 : i64, tpu.core_type = #tpu.core_type<tc>, window_params = [{transform_indices = @transform_0, window_bounds = array<i64: 1024, 128>}, {transform_indices = @transform_1, window_bounds = array<i64: 1024, 128>}]} {
    %get3A = arith.constant 0 : index
    %get3A_0 = arith.constant 0 : index
    %get3A_1 = vector.load %arg1[%get3A, %get3A_0] : memref<1024x128xf32, #tpu.memory_space<vmem>>, vector<1024x128xf32>
    %mul3A = arith.constant 5.000000e-03 : f32
    %mul3A_2 = vector.broadcast %mul3A : f32 to vector<1024x128xf32>
    %mul3A_3 = arith.mulf %get3A_1, %mul3A_2 : vector<1024x128xf32>
    %reduce_max3A = arith.constant dense<0xFF800000> : vector<1024xf32>
    %reduce_max3A_4 = vector.multi_reduction <maximumf>, %mul3A_3, %reduce_max3A [1] : vector<1024x128xf32> to vector<1024xf32>
    %broadcast_in_dim3A = vector.shape_cast %reduce_max3A_4 : vector<1024xf32> to vector<1024x1xf32>
    %sub3A = vector.broadcast %broadcast_in_dim3A : vector<1024x1xf32> to vector<1024x128xf32>
    %sub3A_5 = arith.subf %mul3A_3, %sub3A : vector<1024x128xf32>
    %exp3A = math.exp %sub3A_5 : vector<1024x128xf32>
    %reduce_sum3A = arith.constant dense<0.000000e+00> : vector<1024xf32>
    %reduce_sum3A_6 = vector.multi_reduction <add>, %exp3A, %reduce_sum3A [1] : vector<1024x128xf32> to vector<1024xf32>
    %broadcast_in_dim3A_7 = vector.shape_cast %reduce_sum3A_6 : vector<1024xf32> to vector<1024x1xf32>
    %sub3A_8 = vector.broadcast %broadcast_in_dim3A : vector<1024x1xf32> to vector<1024x128xf32>
    %sub3A_9 = arith.subf %mul3A_3, %sub3A_8 : vector<1024x128xf32>
    %log3A = math.log %broadcast_in_dim3A_7 : vector<1024x1xf32>
    %sub3A_10 = vector.broadcast %log3A : vector<1024x1xf32> to vector<1024x128xf32>
    %sub3A_11 = arith.subf %sub3A_9, %sub3A_10 : vector<1024x128xf32>
    %swap3A = arith.constant 0 : index
    %swap3A_12 = arith.constant 0 : index
    %swap3A_13 = vector.load %arg2[%swap3A, %swap3A_12] : memref<1024x128xf32, #tpu.memory_space<vmem>>, vector<1024x128xf32>
    tpu.vector_store %arg2[%swap3A, %swap3A_12], %sub3A_11 {strides = array<i32>} : memref<1024x128xf32, #tpu.memory_space<vmem>>, vector<1024x128xf32>,
    return
  }
  func.func @transform_0(%arg0: i32) -> (i32, i32) {
    %c0_i32 = arith.constant 0 : i32
    %c0_i32_0 = arith.constant 0 : i32
    return %arg0, %c0_i32 : i32, i32
  }
  func.func @transform_1(%arg0: i32) -> (i32, i32) {
    %c0_i32 = arith.constant 0 : i32
    %c0_i32_0 = arith.constant 0 : i32
    return %arg0, %c0_i32 : i32, i32
  }
}

</mosaic_0001>

<sc_bundles>
// kernel: kernel.5.cloned.1.call-start
scs
__scs_entry_jumppad:
0x0: {  	(pc) =	sbr.rel $0x88, $3  }
0x1: {  	(tag) =	ssettag $0x0;
	lr =	simm.s32 $0x1  }
0x2: {  	[smem:$0x3F9D] =	sst lr;
	_ =	strace $0xD0000000  }
0x3: {  	_ = 	snop  }
0x4: {  	_ = 	snop  }
0x5: {  	_ = 	snop  }
0x6: {  	_ = 	snop  }
0x7: {  	_ = 	snop  }
__scs_overlays_trampoline_lowered:
0x8: {  	[smem:$0x3FAC] =	sst s0  }
0x9: {  	[smem:$0x3FAD] =	sst s1  }
0xa: {  	[smem:$0x3FAE] =	sst s2  }
0xb: {  	[smem:$0x3FAF] =	sst s3  }
0xc: {  	[smem:$0x3FB0] =	sst s4  }
0xd: {  	[smem:$0x3FB1] =	sst s5  }
0xe: {  	[smem:$0x3FB2] =	sst s6  }
0xf: {  	[smem:$0x3FB3] =	sst s7  }
0x10: {  	[smem:$0x3FB4] =	sst s8  }
0x11: {  	[smem:$0x3FB5] =	sst s9;
	s0 =	simm.s32 @!p0 $0x0  }
0x12: {  	s1 =	sld [smem:$0x3F9B];
	s0 =	simm.s32 @p0 $0x1  }
0x13: {  	[smem:$0x3FB6] =	sst s0;
	s0 =	simm.s32 @!p1 $0x0  }
0x14: {  	s2 =	sld [smem:$0x3F9A];
	s0 =	simm.s32 @p1 $0x1  }
0x15: {  	[smem:$0x3FB7] =	sst s0;
	s0 =	simm.s32 @!p2 $0x0  }
0x16: {  	s3 =	sld [smem:$0x3FDB];
	s0 =	simm.s32 @p2 $0x1  }
0x17: {  	s4 =	simm.s32 $0x1BF5;
	[smem:$0x3FB9] =	sst s0  }
0x18: {  	s0 =	sld [smem:$0x3F9C];
	_ =	swait.ge [sflag:s4], $0x0  }
0x19: {  	s7 =	sld [smem:$0x3F9D]  }
0x1a: {  	s8 =	sadd.s32 $0xFFFFE003, lr  }
0x1b: {  	s9 =	sadd.s32 $0xFFFFFEF7, lr;
	s5 =	simm.s32 $0xFFFFFFFF;
	p2 =	slt.u32 s8, $0xFFFFF086  }
0x1c: {  	p1 =	slt.u32 s9, $0xF7A;
	s5 =	simm.s32 @!p2 $0x0  }
0x1d: {  	s5 =	simm.s32 @p1 $0x1;
	p0 =	seq.s32 s7, s2  }
0x1e: {  	s7 =	smul.u32 @!p0 $0xF7A, s2;
	p2 =	seq.s32 @!p0 s5, $0x0  }
0x1f: {  	s9 =	smul.u32 $0xF7A, s1;
	s8 =	simm.s32 @!p0 $0x1BF5;
	p2 =	por !p2, p0  }
0x20: {  	[sflag:s8] =	ssyncset.s32 @!p0 $0xFFFFF086;
	s6 =	sadd.s32 @!p0 s3, s7;
	s7 =	simm.s32 @!p0 $0x108  }
0x21: {  	s3 =	sadd.s32 s3, s9;
	s6 =	sadd.s32 @!p0 $0x88, s6;
	s7 =	simm.s32 @p2 $0x1082  }
0x22: {  	[simem:s7], [sflag:s8] =	dma.local @!p0 [hbm:s6], $0xF7A  }
0x23: {  	s9 =	sor.u32 $0xD0000000, s2;
	s6 =	simm.s32 $0x108;
	_ =	swait.ge @!p0 [sflag:s8], $0x0  }
0x24: {  	s3 =	sadd.s32 $0x88, s3;
	s6 =	simm.s32 @!p1 $0x1082;
	[sflag:s4] =	ssyncset.s32 $0xFFFFF086  }
0x25: {  	[simem:s6], [sflag:s4] =	dma.local [hbm:s3], $0xF7A  }
0x26: {  	[smem:$0x3F9D] =	sst s1;
	(tag) =	ssettag s2;
	_ =	strace s9  }
0x27: {  	s1 =	sld [smem:$0x3FAD]  }
0x28: {  	s2 =	sld [smem:$0x3FAE]  }
0x29: {  	s4 =	sld [smem:$0x3FB0]  }
0x2a: {  	p0 =	seq.s32 s5, $0x0;
	s5 =	sld [smem:$0x3FB1]  }
0x2b: {  	s6 =	sld [smem:$0x3FB2]  }
0x2c: {  	s7 =	sld [smem:$0x3FB3]  }
0x2d: {  	s3 =	simm.s32 $0x108;
	s8 =	sld [smem:$0x3FB4]  }
0x2e: {  	s3 =	simm.s32 @!p0 $0x1082;
	s9 =	sld [smem:$0x3FB5]  }
0x2f: {  	lr =	sadd.s32 s0, s3;
	s0 =	sld [smem:$0x3FAC]  }
0x30: {  	s3 =	sld [smem:$0x3FAF]  }
0x31: {  	[smem:$0x3FB8] =	sst s10  }
0x32: {  	s10 =	sld [smem:$0x3FB6];
	_ =	sdelay $0x3  }
0x33: {  	p0 =	seq.s32 s10, $0x1;
	s10 =	sld [smem:$0x3FB8];
	_ =	sdelay $0x3  }
0x34: {  	[smem:$0x3FB8] =	sst s10  }
0x35: {  	s10 =	sld [smem:$0x3FB7];
	_ =	sdelay $0x3  }
0x36: {  	p1 =	seq.s32 s10, $0x1;
	s10 =	sld [smem:$0x3FB8];
	_ =	sdelay $0x3  }
0x37: {  	[smem:$0x3FB8] =	sst s10  }
0x38: {  	s10 =	sld [smem:$0x3FB9]  }
0x39: {  	_ = 	snop;
	(pc) =	sbr.ind lr, $3  }
0x3a: {  	_ = 	snop  }
0x3b: {  	_ = 	snop  }
0x3c: {  	p2 =	seq.s32 s10, $0x1;
	s10 =	sld [smem:$0x3FB8]  }
0x3d: {  	_ =	shalt  }
0x3e: {  	_ =	shalt  }
0x3f: {  	_ =	shalt  }
0x40: {  	_ =	shalt  }
0x41: {  	_ =	shalt  }
0x42: {  	_ =	shalt  }
0x43: {  	_ =	shalt  }
0x44: {  	_ =	shalt  }
0x45: {  	_ =	shalt  }
0x46: {  	_ =	shalt  }
0x47: {  	_ =	shalt  }
0x48: {  	_ =	shalt  }
0x49: {  	_ =	shalt  }
0x4a: {  	_ =	shalt  }
0x4b: {  	_ =	shalt  }
0x4c: {  	_ =	shalt  }
0x4d: {  	_ =	shalt  }
0x4e: {  	_ =	shalt  }
0x4f: {  	_ =	shalt  }
0x50: {  	_ =	shalt  }
0x51: {  	_ =	shalt  }
0x52: {  	_ =	shalt  }
0x53: {  	_ =	shalt  }
0x54: {  	_ =	shalt  }
0x55: {  	_ =	shalt  }
0x56: {  	_ =	shalt  }
0x57: {  	_ =	shalt  }
0x58: {  	_ =	shalt  }
0x59: {  	_ =	shalt  }
0x5a: {  	_ =	shalt  }
0x5b: {  	_ =	shalt  }
0x5c: {  	_ =	shalt  }
0x5d: {  	_ =	shalt  }
0x5e: {  	_ =	shalt  }
0x5f: {  	_ =	shalt  }
0x60: {  	_ =	shalt  }
0x61: {  	_ =	shalt  }
0x62: {  	_ =	shalt  }
0x63: {  	_ =	shalt  }
0x64: {  	_ =	shalt  }
0x65: {  	_ =	shalt  }
0x66: {  	_ =	shalt  }
0x67: {  	_ =	shalt  }
0x68: {  	_ =	shalt  }
0x69: {  	_ =	shalt  }
0x6a: {  	_ =	shalt  }
0x6b: {  	_ =	shalt  }
0x6c: {  	_ =	shalt  }
0x6d: {  	_ =	shalt  }
0x6e: {  	_ =	shalt  }
0x6f: {  	_ =	shalt  }
0x70: {  	_ =	shalt  }
0x71: {  	_ =	shalt  }
0x72: {  	_ =	shalt  }
0x73: {  	_ =	shalt  }
0x74: {  	_ =	shalt  }
0x75: {  	_ =	shalt  }
0x76: {  	_ =	shalt  }
0x77: {  	_ =	shalt  }
0x78: {  	_ =	shalt  }
0x79: {  	_ =	shalt  }
0x7a: {  	_ =	shalt  }
0x7b: {  	_ =	shalt  }
0x7c: {  	_ =	shalt  }
0x7d: {  	_ =	shalt  }
0x7e: {  	_ =	shalt  }
0x7f: {  	_ =	shalt  }
0x80: {  	_ =	shalt  }
0x81: {  	_ =	shalt  }
0x82: {  	_ =	shalt  }
0x83: {  	_ =	shalt  }
0x84: {  	_ =	shalt  }
0x85: {  	_ =	shalt  }
0x86: {  	_ =	shalt  }
0x87: {  	_ =	shalt  }
.Lfunc_end0:
.L_simem_size_0:
called_computation_lowered:
.L_overlay_start_0:
0x88: {  	s2 =	sld [smem:$0x3FD9]  }
0x89: {  	s3 =	sld [smem:$0x3FFE];
	_ =	sdelay $0x1  }
0x8a: {  	s1 =	srdreg.scid  }
0x8b: {  	s0 =	sand.u32 $0x1, s1  }
0x8c: {  	s17 =	sshll.u32 s0, $0xA;
	s2 =	sadd.s32 s3, s2  }
0x8d: {  	s2 =	sadd.s32 s2, s17  }
0x8e: {  	[smem:$0x3FC4] =	sst s2  }
0x8f: {  	_ = 	snop  }
0x90: {  	s2 =	sld [smem:$0x3FD0];
	(tm) =	ssettm $0x1  }
0x91: {  	s18 =	sld [smem:$0x3FFB];
	_ =	sdelay $0x3  }
0x92: {  	_ =	strace s18  }
0x93: {  	s3 =	sld [smem:$0x3FFC];
	_ =	sdelay $0x3  }
0x94: {  	_ =	strace s3  }
0x95: {  	s3 =	sld [smem:$0x3FFD];
	_ =	sdelay $0x3  }
0x96: {  	_ =	strace s3  }
0x97: {  	_ =	strace $0x8FFFFFFF  }
0x98: {  	s19 =	sld [smem:$0x3FDB];
	_ =	sdelay $0x1  }
0x99: {  	s4 =	simm.s32 $_scs_section_size  }
0x9a: {  	s5 =	simm.s32 $_size__tile_overlayer_lowered;
	s6 =	simm.s32 $_tile_overlayer_lowered  }
0x9b: {  	s22 =	simm.s32 $0x1BFF;
	s21 =	sshll.u32 s6, $0x1;
	s3 =	sadd.s32 s4, s19  }
0x9c: {  	s7 =	simm.s32 $0x0;
	s20 =	sshll.u32 s5, $0x1;
	s5 =	sadd.s32 s21, s3  }
0x9d: {  	[timem:s7], [sflag:s22] =	dma.local [hbm:s5], s20  }
0x9e: {  	_ =	swait.ge [sflag:s22], s20  }
0x9f: {  	s4 =	ssub.s32 $0x0, s20;
	[sflag:s22] =	ssyncset.done $0x0  }
0xa0: {  	[sflag:s22] =	ssyncadd.s32 s4;
	_ =	sdelay $0x1  }
0xa1: {  	s23 =	simm.s32 $0x1B8B  }
0xa2: {  	_ =	swait.ge [sflag:s23], $0x1  }
0xa3: {  	[sflag:s23] =	ssyncset.done $0x0  }
0xa4: {  	s25 =	simm.s32 $0x1B8E;
	s24 =	sld [smem:$0x3FFE];
	[sflag:s23] =	ssyncadd.s32 $0xFFFFFFFF  }
0xa5: {  	s26 =	simm.s32 $execute0_lowered;
	[smem:$0x3FD2] =	sst s25  }
0xa6: {  	s5 =	sshll.u32 s26, $0x1;
	_ =	strace $0x80000046;
	[dreg:$0x1] =	wrdreg $0xFFFFFFFF  }
0xa7: {  	s28 =	simm.s32 $_size_execute0_lowered;
	s3 =	sadd.s32 s3, s5;
	[dreg:$0x0] =	wrdreg $0x0  }
0xa8: {  	s5 =	sshll.u32 s28, $0x1;
	[dreg:$0x2] =	wrdreg s3  }
0xa9: {  	[dreg:$0x3] =	wrdreg s5  }
0xaa: {  	[dreg:$0x4] =	wrdreg $0xC0  }
0xab: {  	_ =	task [dreg:s7], $0x5FFFF  }
0xac: {  	[dreg:$0x1] =	wrdreg $0xFFFFFFFF  }
0xad: {  	[dreg:$0x0] =	wrdreg $0x60  }
0xae: {  	[dreg:$0x2] =	wrdreg s24  }
0xaf: {  	[dreg:$0x3] =	wrdreg s2  }
0xb0: {  	[dreg:$0x4] =	wrdreg $0x9  }
0xb1: {  	_ =	task.clear_ibuf [dreg:s7], $0x5FFFF;
	_ =	strace $0x90000046  }
0xb2: {  	s29 =	simm.s32 $0x9;
	_ =	strace $0x80000048  }
0xb3: {  	_ =	swait.ge [sflag:s29], $0x1  }
0xb4: {  	[sflag:s29] =	ssyncadd.s32 $0xFFFFFFFF  }
0xb5: {  	_ =	strace $0x90000048  }
0xb6: {  	_ =	sfence  }
0xb7: {  	s30 =	sld [smem:$0x0];
	_ =	sdelay $0x2  }
0xb8: {  	s31 =	sshll.u32 s1, $0xD;
	s1 =	sshrl.u32 s1, $0x2  }
0xb9: {  	s3 =	sand.u32 $0x4000, s31;
	s1 =	sadd.s32 s1, s30  }
0xba: {  	s0 =	sor.u32 s3, s0;
	s1 =	sshll.u32 s1, $0x11  }
0xbb: {  	s0 =	sor.u32 s1, s0  }
0xbc: {  	s0 =	sadd.s32 $0x8F2B, s0  }
0xbd: {  	[sflag:s0] =	ssyncadd.remote.s32 $0x1  }
0xbe: {  	_ =	sfence.sel $0xFFFF  }
0xbf: {  	[dreg:$0x0] =	wrdreg $0xFFFFFFFF;
	(pc) =	sbr.abs _section_cstart, $3  }
0xc0: {  	[dreg:$0x1] =	wrdreg $0xFFFFFFFF  }
0xc1: {  	_ =	task.clear_ibuf [dreg:s7], $0x2FFFF;
	_ =	strace $0x9FFFFFFF  }
0xc2: {  	(tm) =	ssettm $0x7FFFFFFF  }
0xc3: {  	_ =	shalt  }
tec
execute0_lowered:
.L_overlay_start_1:
0x0: {  	(tag) =	ssettag $0x1  }
0x1: {  	s1 =	srdreg.scid;
	s3 =	rddreg [dreg:$0x0]  }
0x2: {  	s0 =	stileid.u32;
	s5 =	rddreg [dreg:$0x1];
	s2 =	simm.s32 $0x0  }
0x3: {  	s9 =	simm.s32 $0x6400;
	s10 =	simm.s32 $0x48;
	s11 =	simm.s32 $0xA400  }
0x4: {  	s12 =	simm.s32 $0xC800;
	s13 =	simm.s32 $0x10800;
	s14 =	simm.s32 $0x1  }
0x5: {  	s15 =	simm.s32 $0x2;
	s16 =	simm.s32 $0x12C00;
	s17 =	simm.s32 $0x0  }
0x6: {  	s4 =	sand.u32 $0x1, s1;
	s31 =	sshll.u32 s0, $0x1;
	s1 =	rddreg [dreg:$0x2]  }
0x7: {  	[smem:$0x7FF] =	sst s2;
	s6 =	sor.u32 s4, s31;
	s4 =	ssub.s32 $0x2, s4  }
0x8: {  	s7 =	smul.u32 $0xC80, s6;
	s8 =	sshrl.u32 s4, $0x1;
	s6 =	sshll.u32 s6, $0xB  }
0x9: {  	_ =	strace $0x80000047;
	s8 =	ssub.s32 s4, s8;
	s5 =	sadd.s32 s5, s6  }
0xa: {  	s7 =	sadd.s32 s7, s3;
	s3 =	sadd.s32 $0x19800, s3;
	s6 =	smax.u32 s8, $0x1  }
0xb: {  	s8 =	simm.s32 $0x80;
	s4 =	sadd.s32 $0x800, s7;
	s7 =	simm.s32 $0x3  }
.LBB2_1:
0xc: {  	[tilespmem:s2], [sflag:$0x3] =	stream.linear.gather [hbm4b:s4+s2], $0x6400, $0x38;
	[tilespmem:$0x16C00] =	vst v63  }
0xd: {  	_ =	swait.ge [sflag:s7], $0x6400  }
0xe: {  	[sflag:s7] =	ssyncset.done $0x0  }
0xf: {  	[sflag:s7] =	ssyncadd.s32 $0xFFFF9C00  }
0x10: {  	[tilespmem:s9], [sflag:$0x1] =	stream.indirect.gather [hbm4b:s3+s8], $0x80, s2, s8, $0xb8;
	[tilespmem:$0x16C00] =	vst v63  }
0x11: {  	s18 =	simm.s32 $0x0  }
0x12: {  	[tilespmem:s11], [sflag:$0x1] =	stream.indirect.gather [hbm4b:s3+s10], $0x80, s8, s10, $0xb8;
	[tilespmem:$0x16C00] =	vst v63  }
.LBB2_2:
0x13: {  	s19 =	sshllo.u32 s18, $0x1  }
0x14: {  	s20 =	smul.u32 $0x320, s19;
	_ =	sdelay $0x1  }
0x15: {  	s20 =	sshra.s32 s20, $0x2  }
0x16: {  	[tilespmem:s12], [sflag:$0x2] =	stream.indirect.gather [hbm4b:s3+s8], $0x80, s20, s8, $0xb8;
	[tilespmem:$0x16C00] =	vst v63  }
0x17: {  	s20 =	sadd.s32 $0x80, s20  }
0x18: {  	[tilespmem:s13], [sflag:$0x2] =	stream.indirect.gather [hbm4b:s3+s10], $0x80, s20, s10, $0xb8;
	[tilespmem:$0x16C00] =	vst v63  }
0x19: {  	_ =	swait.ge [sflag:s14], $0x4000  }
0x1a: {  	[sflag:s14] =	ssyncset.done $0x0  }
0x1b: {  	[sflag:s14] =	ssyncadd.s32 $0xFFFFC000  }
0x1c: {  	_ =	swait.ge [sflag:s14], $0x2400  }
0x1d: {  	[sflag:s14] =	ssyncset.done $0x0  }
0x1e: {  	s22 =	simm.s32 $0x0;
	[sflag:s14] =	ssyncadd.s32 $0xFFFFDC00  }
0x1f: {  	v0 =	vld [tilespmem:s22+$0x6470]  }
0x20: {  	v1 =	vld [tilespmem:s22+$0x6400]  }
0x21: {  	v3 =	vld [tilespmem:s22+$0x6410]  }
0x22: {  	v12 =	vld [tilespmem:s22+$0x6420]  }
0x23: {  	v10 =	vld [tilespmem:s22+$0x6430]  }
0x24: {  	v2 =	vimm.f32 $0.0e+00;
	v6 =	vimm.f32 $0.0e+00;
	v5 =	vld [tilespmem:s22+$0x6440]  }
0x25: {  	v7 =	vimm.f32 $0.0e+00;
	v8 =	vld [tilespmem:s22+$0x6450];
	v0 =	vadd.f32 v0, v2;
	v9 =	vadd.f32 v1, v2  }
0x26: {  	s21 =	simm.s32 $0x400;
	s20 =	simm.s32 $0x80;
	v11 =	vld [tilespmem:s22+$0x6460];
	v4 =	vadd.f32 v3, v2;
	v3 =	vimm.f32 $0.0e+00;
	v1 =	vimm.f32 $0.0e+00  }
.LBB2_3:
0x27: {  	p0 =	sne.s32 s21, $0x18E00;
	v13 =	vld [tilespmem:s20+$0x6470];
	v2 =	vadd.f32 v12, v2  }
0x28: {  	v14 =	vld [tilespmem:s20+$0x6400];
	v6 =	vadd.f32 v10, v6  }
0x29: {  	v15 =	vld [tilespmem:s20+$0x6410];
	v7 =	vadd.f32 v5, v7  }
.Ltmp0:
0x2a: {  	v12 =	vld [tilespmem:s20+$0x6420];
	v3 =	vadd.f32 v8, v3;
	(pc) =	sbr.rel @p0 .LBB2_3-.Ltmp0, $4  }
0x2b: {  	v10 =	vld [tilespmem:s20+$0x6430];
	v1 =	vadd.f32 v11, v1  }
0x2c: {  	v5 =	vld [tilespmem:s20+$0x6440];
	v0 =	vadd.f32 v13, v0  }
0x2d: {  	v9 =	vadd.f32 v14, v9;
	v8 =	vld [tilespmem:s20+$0x6450]  }
0x2e: {  	v4 =	vadd.f32 v15, v4;
	v11 =	vld [tilespmem:s20+$0x6460];
	s20 =	sshra.s32 s21, $0x2;
	s21 =	sadd.s32 $0x200, s21  }
0x2f: {  	v14 =	vld [tilespmem:s20+$0x6400]  }
0x30: {  	v15 =	vld [tilespmem:s20+$0x6410]  }
0x31: {  	v16 =	vld [tilespmem:s20+$0x6420]  }
0x32: {  	v17 =	vld [tilespmem:s20+$0x6430]  }
0x33: {  	v13 =	vld [tilespmem:s20+$0x6470];
	v2 =	vadd.f32 v12, v2  }
0x34: {  	s21 =	sshll.u32 s18, $0x8;
	v6 =	vadd.f32 v10, v6;
	v10 =	vld [tilespmem:s20+$0x6460];
	v9 =	vadd.f32 v14, v9  }
0x35: {  	v18 =	vld [tilespmem:s20+$0x6440];
	s30 =	sand.u32 $0x3FFFFF00, s21;
	v4 =	vadd.f32 v15, v4  }
0x36: {  	v12 =	vld [tilespmem:s20+$0x6450];
	v2 =	vadd.f32 v16, v2;
	[tilespmem:s30+$0x12C00] =	vst v9  }
0x37: {  	v1 =	vadd.f32 v11, v1;
	v6 =	vadd.f32 v17, v6;
	[tilespmem:s30+$0x12C10] =	vst v4  }
0x38: {  	v5 =	vadd.f32 v5, v7;
	v0 =	vadd.f32 v13, v0;
	[tilespmem:s30+$0x12C20] =	vst v2  }
0x39: {  	p0 =	seq.s32 s18, $0x3F;
	v3 =	vadd.f32 v8, v3;
	v1 =	vadd.f32 v10, v1;
	[tilespmem:s30+$0x12C30] =	vst v6  }
0x3a: {  	s21 =	smul.u32 @!p0 $0x640, s18;
	v4 =	vadd.f32 v18, v5;
	[tilespmem:s30+$0x12C70] =	vst v0  }
0x3b: {  	v2 =	vadd.f32 v12, v3;
	[tilespmem:s30+$0x12C60] =	vst v1  }
0x3c: {  	s21 =	sshra.s32 @!p0 s21, $0x2;
	[tilespmem:s30+$0x12C40] =	vst v4  }
0x3d: {  	s22 =	simm.s32 @!p0 $0x80;
	s23 =	simm.s32 @!p0 $0x6400;
	s20 =	sadd.s32 @!p0 $0x190, s21;
	[tilespmem:s30+$0x12C50] =	vst v2  }
0x3e: {  	[tilespmem:s23], [sflag:$0x1] =	stream.indirect.gather @!p0 [hbm4b:s3+s22], $0x80, s20, s22, $0xb8;
	[tilespmem:$0x16C00] =	vst v63  }
0x3f: {  	s20 =	sadd.s32 @!p0 $0x210, s21;
	s21 =	simm.s32 @!p0 $0x48;
	s22 =	simm.s32 @!p0 $0xA400  }
0x40: {  	[tilespmem:s22], [sflag:$0x1] =	stream.indirect.gather @!p0 [hbm4b:s3+s21], $0x80, s20, s21, $0xb8;
	[tilespmem:$0x16C00] =	vst v63  }
0x41: {  	_ =	swait.ge [sflag:s15], $0x4000  }
0x42: {  	[sflag:s15] =	ssyncset.done $0x0  }
0x43: {  	[sflag:s15] =	ssyncadd.s32 $0xFFFFC000  }
0x44: {  	_ =	swait.ge [sflag:s15], $0x2400  }
0x45: {  	[sflag:s15] =	ssyncset.done $0x0  }
0x46: {  	s31 =	simm.s32 $0x0;
	[sflag:s15] =	ssyncadd.s32 $0xFFFFDC00  }
0x47: {  	v0 =	vld [tilespmem:s31+$0xC870]  }
0x48: {  	v1 =	vld [tilespmem:s31+$0xC800]  }
0x49: {  	v3 =	vld [tilespmem:s31+$0xC810]  }
0x4a: {  	v12 =	vld [tilespmem:s31+$0xC820]  }
0x4b: {  	v10 =	vld [tilespmem:s31+$0xC830]  }
0x4c: {  	v7 =	vimm.f32 $0.0e+00;
	v2 =	vimm.f32 $0.0e+00;
	v5 =	vld [tilespmem:s31+$0xC840]  }
0x4d: {  	v6 =	vimm.f32 $0.0e+00;
	v8 =	vld [tilespmem:s31+$0xC850];
	v0 =	vadd.f32 v0, v2;
	v9 =	vadd.f32 v1, v2  }
0x4e: {  	s20 =	simm.s32 $0x80;
	s21 =	simm.s32 $0x400;
	v11 =	vld [tilespmem:s31+$0xC860];
	v4 =	vadd.f32 v3, v2;
	v3 =	vimm.f32 $0.0e+00;
	v1 =	vimm.f32 $0.0e+00  }
.LBB2_5:
0x4f: {  	p0 =	sne.s32 s21, $0x18E00;
	v13 =	vld [tilespmem:s20+$0xC870];
	v2 =	vadd.f32 v12, v2  }
0x50: {  	v14 =	vld [tilespmem:s20+$0xC800];
	v6 =	vadd.f32 v10, v6  }
0x51: {  	v15 =	vld [tilespmem:s20+$0xC810];
	v7 =	vadd.f32 v5, v7  }
.Ltmp1:
0x52: {  	v12 =	vld [tilespmem:s20+$0xC820];
	v3 =	vadd.f32 v8, v3;
	(pc) =	sbr.rel @p0 .LBB2_5-.Ltmp1, $4  }
0x53: {  	v10 =	vld [tilespmem:s20+$0xC830];
	v1 =	vadd.f32 v11, v1  }
0x54: {  	v5 =	vld [tilespmem:s20+$0xC840];
	v0 =	vadd.f32 v13, v0  }
0x55: {  	v9 =	vadd.f32 v14, v9;
	v8 =	vld [tilespmem:s20+$0xC850]  }
0x56: {  	v4 =	vadd.f32 v15, v4;
	v11 =	vld [tilespmem:s20+$0xC860];
	s20 =	sshra.s32 s21, $0x2;
	s21 =	sadd.s32 $0x200, s21  }
0x57: {  	v14 =	vld [tilespmem:s20+$0xC800]  }
0x58: {  	v15 =	vld [tilespmem:s20+$0xC810]  }
0x59: {  	v16 =	vld [tilespmem:s20+$0xC820]  }
0x5a: {  	v17 =	vld [tilespmem:s20+$0xC830]  }
0x5b: {  	v18 =	vld [tilespmem:s20+$0xC840]  }
0x5c: {  	v2 =	vadd.f32 v12, v2;
	v60 =	vld [tilespmem:s20+$0xC850];
	s19 =	sshll.u32 s19, $0x7;
	v9 =	vadd.f32 v14, v9  }
0x5d: {  	v13 =	vld [tilespmem:s20+$0xC870];
	v6 =	vadd.f32 v10, v6;
	s19 =	sand.u32 $0x3FFFFF80, s19;
	v4 =	vadd.f32 v15, v4  }
0x5e: {  	v61 =	vld [tilespmem:s20+$0xC860];
	v5 =	vadd.f32 v5, v7;
	v2 =	vadd.f32 v16, v2;
	[tilespmem:s19+$0x12C00] =	vst v9  }
0x5f: {  	s18 =	sadd.s32 $0x1, s18;
	v3 =	vadd.f32 v8, v3;
	v6 =	vadd.f32 v17, v6;
	[tilespmem:s19+$0x12C10] =	vst v4  }
0x60: {  	p0 =	sne.s32 s18, $0x40;
	v62 =	vadd.f32 v18, v5;
	[tilespmem:s19+$0x12C20] =	vst v2  }
.Ltmp2:
0x61: {  	v1 =	vadd.f32 v11, v1;
	v63 =	vadd.f32 v60, v3;
	[tilespmem:s19+$0x12C30] =	vst v6;
	(pc) =	sbr.rel @p0 .LBB2_2-.Ltmp2, $4  }
0x62: {  	v0 =	vadd.f32 v13, v0;
	[tilespmem:s19+$0x12C40] =	vst v62  }
0x63: {  	v1 =	vadd.f32 v61, v1;
	[tilespmem:s19+$0x12C50] =	vst v63  }
0x64: {  	[tilespmem:s19+$0x12C70] =	vst v0  }
0x65: {  	[tilespmem:s19+$0x12C60] =	vst v1  }
0x66: {  	s17 =	sadd.s32 $0x1, s17  }
0x67: {  	p0 =	sne.s32 s17, s6  }
.Ltmp3:
0x68: {  	_ = 	snop;
	(pc) =	sbr.rel @p0 .LBB2_1-.Ltmp3, $4  }
0x69: {  	[hbm4b:s5+s2] =	stream.linear.scatter [tilespmem:s16], [sflag:$0x3], $0x4000, $0x38;
	[tilespmem:$0x16C00] =	vst v63  }
0x6a: {  	_ =	swait.ge [sflag:s7], $0x4000  }
0x6b: {  	[sflag:s7] =	ssyncset.done $0x0  }
0x6c: {  	[sflag:s7] =	ssyncadd.s32 $0xFFFFC000  }
0x6d: {  	_ =	sfence.sel $0x180000  }
0x6e: {  	[bflag:$0x0] =	sbarrier.arrive $0xFFFF  }
0x6f: {  	p0 =	sne.s32 s0, $0x0;
	_ =	strace $0x90000047  }
0x70: {  	s0 =	sadd.s32 @!p0 $0x100000, s1;
	[bflag:$0x2] =	sbarrier.arrive $0xFFFF  }
0x71: {  	[sflag:s0] =	ssyncadd.tile.s32 @!p0 $0x1;
	_ =	shalt  }
.Lfunc_end2:
_tile_overlayer_lowered:
.L_overlay_start_2:
0x72: {  	(tag) =	ssettag $0x2  }
0x73: {  	s0 =	rddreg [dreg:$0x0];
	s2 =	stileid.u32  }
0x74: {  	s1 =	rddreg [dreg:$0x1];
	p0 =	sne.s32 s2, $0x0  }
0x75: {  	s3 =	rddreg [dreg:$0x2];
	[bflag:$0x3] =	sbarrier.arrive $0xFFFF;
	s2 =	simm.s32 @!p0 $0x1C03  }
0x76: {  	[timem:s3], [sflag:s2] =	dma.local @!p0 [hbm:s0], s1  }
0x77: {  	s0 =	simm.s32 @!p0 $0x3  }
0x78: {  	_ =	swait.ge @!p0 [sflag:s0], s1  }
0x79: {  	s1 =	ssub.s32 @!p0 $0x0, s1;
	[sflag:s0] =	ssyncset.done @!p0 $0x0  }
0x7a: {  	[sflag:s0] =	ssyncadd.s32 @!p0 s1  }
0x7b: {  	[bflag:$0x3] =	sbarrier.arrive $0xFFFF  }
0x7c: {  	_ =	shalt  }

</sc_bundles>
